<compile_context>
chip_gen: v7x
topology: tpu7x:2x2x1
jax: 0.10.2.dev20260603
libtpu: 0.0.44.dev20260713+nightly
codegen_flags: <defaults>
</compile_context>

<pallas_src>
import functools

import jax
import jax.numpy as jnp
from jax import lax
from jax.experimental import pallas as pl
from jax.experimental.pallas import tpu as pltpu
from jax.experimental.pallas import tpu_sc as plsc

_NBUF = 4


def _emb_mean_kernel(num_bags, hist, emb_dim, num_workers):
    bags_per_worker = num_bags // num_workers
    pairs_per_worker = bags_per_worker // 2
    ids_per_pair = 2 * hist
    idx_minor = 80
    gathers_per_pair = ids_per_pair // idx_minor
    idx_rows_per_worker = pairs_per_worker * gathers_per_pair
    out_per_worker = bags_per_worker * emb_dim

    mesh = plsc.VectorSubcoreMesh(core_axis_name="c", subcore_axis_name="s")

    @functools.partial(
        pl.kernel,
        mesh=mesh,
        out_type=jax.ShapeDtypeStruct((num_bags * emb_dim,), jnp.float32),
        compiler_params=pltpu.CompilerParams(
            needs_layout_passes=False, use_tc_tiling_on_sc=False),
        scratch_types=[
            pltpu.VMEM((idx_rows_per_worker, idx_minor), jnp.int32),
            pltpu.VMEM((_NBUF * ids_per_pair, emb_dim), jnp.float32),
            pltpu.VMEM((out_per_worker,), jnp.float32),
            pltpu.SemaphoreType.DMA,
            pltpu.SemaphoreType.DMA,
            pltpu.SemaphoreType.DMA,
            pltpu.SemaphoreType.DMA,
        ],
    )
    def body(idx_hbm, table_hbm, out_hbm, idx_v, rows_v, out_v,
             sem0, sem1, sem2, sem3):
        nc = 2
        wid = lax.axis_index("s") * nc + lax.axis_index("c")
        out_base = wid * out_per_worker
        sems = (sem0, sem1, sem2, sem3)

        lane = lax.iota(jnp.int32, 16)
        col_idx = lax.bitwise_and(lane, 7)
        row_const = jnp.where(lane >= 8, hist, 0).astype(jnp.int32)
        incr = jnp.full((16,), 4, jnp.int32)

        pltpu.sync_copy(
            idx_hbm.at[pl.ds(wid * idx_rows_per_worker, idx_rows_per_worker)],
            idx_v,
        )

        def fire(p, b):
            for g in range(gathers_per_pair):
                pltpu.async_copy(
                    table_hbm.at[idx_v.at[p * gathers_per_pair + g]],
                    rows_v.at[pl.ds(b * ids_per_pair + g * idx_minor,
                                    idx_minor)],
                    sems[b],
                )

        def wait(p, b):
            pltpu.make_async_copy(
                table_hbm.at[pl.ds(0, ids_per_pair)],
                rows_v.at[pl.ds(b * ids_per_pair, ids_per_pair)],
                sems[b],
            ).wait()

        for b in range(_NBUF):
            fire(b, b)

        def step(p, _):
            parity = lax.bitwise_and(p, _NBUF - 1)
            base = parity * ids_per_pair

            for b in range(_NBUF):
                @pl.when(parity == b)
                def _(b=b):
                    wait(p, b)

            def inner(j, carry):
                a0, a1, a2, a3, r0, r1, r2, r3 = carry
                a0 = a0 + plsc.load_gather(rows_v, [r0, col_idx])
                a1 = a1 + plsc.load_gather(rows_v, [r1, col_idx])
                a2 = a2 + plsc.load_gather(rows_v, [r2, col_idx])
                a3 = a3 + plsc.load_gather(rows_v, [r3, col_idx])
                return (a0, a1, a2, a3,
                        r0 + incr, r1 + incr, r2 + incr, r3 + incr)

            zero = jnp.zeros((16,), jnp.float32)
            start = row_const + base
            a0, a1, a2, a3, *_ = lax.fori_loop(
                0, hist // 4, inner,
                (zero, zero, zero, zero,
                 start, start + 1, start + 2, start + 3),
                unroll=5)
            acc = (a0 + a1) + (a2 + a3)

            @pl.when(p < pairs_per_worker - _NBUF)
            def _():
                for b in range(_NBUF):
                    @pl.when(parity == b)
                    def _(b=b):
                        fire(p + _NBUF, b)

            out_v[pl.ds(p * 16, 16)] = acc * (1.0 / hist)
            return 0

        lax.fori_loop(0, pairs_per_worker, step, 0)
        pltpu.sync_copy(out_v, out_hbm.at[pl.ds(out_base, out_per_worker)])

    return body


def kernel(input_tensor, table):
    num_bags, hist = input_tensor.shape
    vocab, emb_dim = table.shape
    num_workers = 32
    idx_minor = 80
    idx = input_tensor.astype(jnp.int32).reshape(-1, idx_minor)

    vpad = -(-vocab // 128) * 128
    nblk = vpad // 128
    tp = jnp.pad(table, ((0, vpad - vocab), (0, 0)))
    z = jnp.transpose(tp.T.reshape(emb_dim, nblk, 128), (1, 2, 0))
    z = lax.optimization_barrier(z.reshape(nblk, 128 * emb_dim))
    table_lin = z.reshape(vpad, emb_dim)

    k = _emb_mean_kernel(num_bags, hist, emb_dim, num_workers)
    out_flat = k(idx, table_lin)
    return out_flat.reshape(num_bags, emb_dim)

# --- scband reference (transcript-rebuilt; emitter-appended) ---
"""Pipeline reference for scband-emb-layer-63960652972691 (READ-ONLY COPY).

The authoritative reference and input builder live on the scoring server;
editing this copy changes nothing except your own understanding.
"""

import jax, jax.numpy as jnp
import numpy as np

VOCAB = 1000000
EMB_DIM = 8
BATCH = 16384
HIST = 200

def setup_inputs(seed: int = 0) -> dict:
    key = jax.random.key(seed)
    k_idx, k_tab = jax.random.split(key)
    input_tensor = jax.random.randint(k_idx, (BATCH, HIST), 0, VOCAB, dtype=jnp.int64)
    # learned parameter: dynamic embedding table materialized as dense [VOCAB, EMB_DIM]
    table = jax.random.normal(k_tab, (VOCAB, EMB_DIM), dtype=jnp.float32) * 0.05
    return {"input_tensor": input_tensor, "table": table}

def reference(input_tensor, table):
    # HvdAllToAllEmbedding lookup with combiner='mean':
    # gather rows for each id in the bag, then mean-reduce over the bag (hist) dim.
    gathered = jnp.take(table, input_tensor, axis=0)  # [B, L, 8]
    out = jnp.mean(gathered, axis=1)                  # [B, 8]
    return out

if __name__ == "__main__":
    import jax
    _d = setup_inputs()
    print(jax.jit(kernel)(*tuple(_d.values())))

</pallas_src>

<mosaic_0001>
#map = affine_map<(d0, d1) -> (0, 0)>
#map1 = affine_map<(d0, d1) -> (0)>
module attributes {stable_mosaic.version = 14 : i64} {
  func.func @body(%arg0: i32, %arg1: i32, %arg2: memref<40960x80xi32, #tpu.memory_space<hbm>>, %arg3: memref<1000064x8xf32, #tpu.memory_space<hbm>>, %arg4: memref<131072xf32, #tpu.memory_space<hbm>>, %arg5: memref<1280x80xi32, #tpu.memory_space<vmem>>, %arg6: memref<1600x8xf32, #tpu.memory_space<vmem>>, %arg7: memref<4096xf32, #tpu.memory_space<vmem>>, %arg8: memref<!tpu.dma_semaphore, #tpu.memory_space<semaphore_mem>>, %arg9: memref<!tpu.dma_semaphore, #tpu.memory_space<semaphore_mem>>, %arg10: memref<!tpu.dma_semaphore, #tpu.memory_space<semaphore_mem>>, %arg11: memref<!tpu.dma_semaphore, #tpu.memory_space<semaphore_mem>>) attributes {dimension_semantics = [#tpu.dimension_semantics<core_parallel>, #tpu.dimension_semantics<subcore_parallel>], iteration_bounds = array<i64: 2, 16>, scalar_prefetch = 0 : i64, scratch_operands = 7 : i64, tpu.core_type = #tpu.core_type<sc_vector_subcore>, window_params = [{transform_indices = #map}, {transform_indices = #map}, {transform_indices = #map1}]} {
    %mul3A = arith.constant 2 : i32
    %mul3A_0 = arith.muli %arg1, %mul3A : i32
    %add3A = arith.addi %mul3A_0, %arg0 : i32
    %mul3A_1 = arith.constant 4096 : i32
    %mul3A_2 = arith.muli %add3A, %mul3A_1 : i32
    %iota3A = tpu.iota {dimensions = array<i32: 0>} : vector<16xi32>
    %and3A = arith.constant 7 : i32
    %and3A_3 = vector.broadcast %and3A : i32 to vector<16xi32>
    %and3A_4 = arith.andi %iota3A, %and3A_3 : vector<16xi32>
    %ge3A = arith.constant 8 : i32
    %ge3A_5 = vector.broadcast %ge3A : i32 to vector<16xi32>
    %ge3A_6 = arith.cmpi sge, %iota3A, %ge3A_5 : vector<16xi32>
    %jit3A = arith.constant 200 : i32
    %jit3A_7 = arith.constant 0 : i32
    %broadcast_in_dim3A = vector.broadcast %jit3A : i32 to vector<16xi32>
    %broadcast_in_dim3A_8 = vector.broadcast %jit3A_7 : i32 to vector<16xi32>
    %select_n3A = arith.select %ge3A_6, %broadcast_in_dim3A, %broadcast_in_dim3A_8 : vector<16xi1>, vector<16xi32>
    %broadcast_in_dim3A_9 = arith.constant 4 : i32
    %broadcast_in_dim3A_10 = vector.broadcast %broadcast_in_dim3A_9 : i32 to vector<16xi32>
    %mul3A_11 = arith.constant 1280 : i32
    %mul3A_12 = arith.muli %add3A, %mul3A_11 : i32
    "tpu.region"() ({
      %run_scoped3A = tpu.sem_alloc : memref<!tpu.dma_semaphore, #tpu.memory_space<semaphore_mem>>
      %dma_start3A_218 = arith.constant 0 : i32
      %dma_start3A_219 = tpu.memref_slice %arg2[%mul3A_12, %dma_start3A_218] : memref<40960x80xi32, #tpu.memory_space<hbm>> -> memref<1280x80xi32, #tpu.memory_space<hbm>>
      %dma_start3A_220 = arith.constant 0 : i32
      %dma_start3A_221 = tpu.memref_slice %arg2[%mul3A_12, %dma_start3A_220] : memref<40960x80xi32, #tpu.memory_space<hbm>> -> memref<1280x80xi32, #tpu.memory_space<hbm>>
      tpu.enqueue_dma source(%dma_start3A_221 : memref<1280x80xi32, #tpu.memory_space<hbm>>) target(%arg5 : memref<1280x80xi32, #tpu.memory_space<vmem>>) target_semaphore(%run_scoped3A : memref<!tpu.dma_semaphore, #tpu.memory_space<semaphore_mem>>)
      %dma_wait3A = arith.constant 0 : i32
      %dma_wait3A_222 = tpu.memref_slice %arg2[%mul3A_12, %dma_wait3A] : memref<40960x80xi32, #tpu.memory_space<hbm>> -> memref<1280x80xi32, #tpu.memory_space<hbm>>
      %dma_wait3A_223 = arith.constant 0 : i32
      %dma_wait3A_224 = tpu.memref_slice %arg2[%mul3A_12, %dma_wait3A_223] : memref<40960x80xi32, #tpu.memory_space<hbm>> -> memref<1280x80xi32, #tpu.memory_space<hbm>>
      tpu.wait_dma2 semaphore(%run_scoped3A : memref<!tpu.dma_semaphore, #tpu.memory_space<semaphore_mem>>) src(%dma_wait3A_224 : memref<1280x80xi32, #tpu.memory_space<hbm>>) dst(%arg5 : memref<1280x80xi32, #tpu.memory_space<vmem>>)
      tpu.yield
    }) : () -> ()
    %dma_start3A = arith.constant 0 : i32
    %dma_start3A_13 = arith.constant 0 : i32
    %dma_start3A_14 = arith.constant 0 : i32
    %dma_start3A_15 = tpu.memref_slice %arg6[%dma_start3A_13, %dma_start3A_14] : memref<1600x8xf32, #tpu.memory_space<vmem>> -> memref<80x8xf32, #tpu.memory_space<vmem>>
    %dma_start3A_16 = arith.constant 0 : i32
    %dma_start3A_17 = tpu.memref_slice %arg5[%dma_start3A, %dma_start3A_16] : memref<1280x80xi32, #tpu.memory_space<vmem>> -> memref<1x80xi32, #tpu.memory_space<vmem>>
    %dma_start3A_18 = tpu.memref_squeeze %dma_start3A_17 : memref<1x80xi32, #tpu.memory_space<vmem>> -> memref<80xi32, #tpu.memory_space<vmem>>
    %dma_start3A_19 = arith.constant 0 : i32
    %dma_start3A_20 = arith.constant 0 : i32
    %dma_start3A_21 = tpu.memref_slice %arg3[%dma_start3A_19, %dma_start3A_20] : memref<1000064x8xf32, #tpu.memory_space<hbm>> -> memref<1000064x8xf32, #tpu.memory_space<hbm>>
    tpu.enqueue_indirect_dma source(%dma_start3A_21 : memref<1000064x8xf32, #tpu.memory_space<hbm>>) target(%dma_start3A_15 : memref<80x8xf32, #tpu.memory_space<vmem>>) offsets(%dma_start3A_18 : memref<80xi32, #tpu.memory_space<vmem>>) semaphore(%arg8 : memref<!tpu.dma_semaphore, #tpu.memory_space<semaphore_mem>>)
    %dma_start3A_22 = arith.constant 1 : i32
    %dma_start3A_23 = arith.constant 80 : i32
    %dma_start3A_24 = arith.constant 0 : i32
    %dma_start3A_25 = tpu.memref_slice %arg6[%dma_start3A_23, %dma_start3A_24] : memref<1600x8xf32, #tpu.memory_space<vmem>> -> memref<80x8xf32, #tpu.memory_space<vmem>>
    %dma_start3A_26 = arith.constant 0 : i32
    %dma_start3A_27 = tpu.memref_slice %arg5[%dma_start3A_22, %dma_start3A_26] : memref<1280x80xi32, #tpu.memory_space<vmem>> -> memref<1x80xi32, #tpu.memory_space<vmem>>
    %dma_start3A_28 = tpu.memref_squeeze %dma_start3A_27 : memref<1x80xi32, #tpu.memory_space<vmem>> -> memref<80xi32, #tpu.memory_space<vmem>>
    %dma_start3A_29 = arith.constant 0 : i32
    %dma_start3A_30 = arith.constant 0 : i32
    %dma_start3A_31 = tpu.memref_slice %arg3[%dma_start3A_29, %dma_start3A_30] : memref<1000064x8xf32, #tpu.memory_space<hbm>> -> memref<1000064x8xf32, #tpu.memory_space<hbm>>
    tpu.enqueue_indirect_dma source(%dma_start3A_31 : memref<1000064x8xf32, #tpu.memory_space<hbm>>) target(%dma_start3A_25 : memref<80x8xf32, #tpu.memory_space<vmem>>) offsets(%dma_start3A_28 : memref<80xi32, #tpu.memory_space<vmem>>) semaphore(%arg8 : memref<!tpu.dma_semaphore, #tpu.memory_space<semaphore_mem>>)
    %dma_start3A_32 = arith.constant 2 : i32
    %dma_start3A_33 = arith.constant 160 : i32
    %dma_start3A_34 = arith.constant 0 : i32
    %dma_start3A_35 = tpu.memref_slice %arg6[%dma_start3A_33, %dma_start3A_34] : memref<1600x8xf32, #tpu.memory_space<vmem>> -> memref<80x8xf32, #tpu.memory_space<vmem>>
    %dma_start3A_36 = arith.constant 0 : i32
    %dma_start3A_37 = tpu.memref_slice %arg5[%dma_start3A_32, %dma_start3A_36] : memref<1280x80xi32, #tpu.memory_space<vmem>> -> memref<1x80xi32, #tpu.memory_space<vmem>>
    %dma_start3A_38 = tpu.memref_squeeze %dma_start3A_37 : memref<1x80xi32, #tpu.memory_space<vmem>> -> memref<80xi32, #tpu.memory_space<vmem>>
    %dma_start3A_39 = arith.constant 0 : i32
    %dma_start3A_40 = arith.constant 0 : i32
    %dma_start3A_41 = tpu.memref_slice %arg3[%dma_start3A_39, %dma_start3A_40] : memref<1000064x8xf32, #tpu.memory_space<hbm>> -> memref<1000064x8xf32, #tpu.memory_space<hbm>>
    tpu.enqueue_indirect_dma source(%dma_start3A_41 : memref<1000064x8xf32, #tpu.memory_space<hbm>>) target(%dma_start3A_35 : memref<80x8xf32, #tpu.memory_space<vmem>>) offsets(%dma_start3A_38 : memref<80xi32, #tpu.memory_space<vmem>>) semaphore(%arg8 : memref<!tpu.dma_semaphore, #tpu.memory_space<semaphore_mem>>)
    %dma_start3A_42 = arith.constant 3 : i32
    %dma_start3A_43 = arith.constant 240 : i32
    %dma_start3A_44 = arith.constant 0 : i32
    %dma_start3A_45 = tpu.memref_slice %arg6[%dma_start3A_43, %dma_start3A_44] : memref<1600x8xf32, #tpu.memory_space<vmem>> -> memref<80x8xf32, #tpu.memory_space<vmem>>
    %dma_start3A_46 = arith.constant 0 : i32
    %dma_start3A_47 = tpu.memref_slice %arg5[%dma_start3A_42, %dma_start3A_46] : memref<1280x80xi32, #tpu.memory_space<vmem>> -> memref<1x80xi32, #tpu.memory_space<vmem>>
    %dma_start3A_48 = tpu.memref_squeeze %dma_start3A_47 : memref<1x80xi32, #tpu.memory_space<vmem>> -> memref<80xi32, #tpu.memory_space<vmem>>
    %dma_start3A_49 = arith.constant 0 : i32
    %dma_start3A_50 = arith.constant 0 : i32
    %dma_start3A_51 = tpu.memref_slice %arg3[%dma_start3A_49, %dma_start3A_50] : memref<1000064x8xf32, #tpu.memory_space<hbm>> -> memref<1000064x8xf32, #tpu.memory_space<hbm>>
    tpu.enqueue_indirect_dma source(%dma_start3A_51 : memref<1000064x8xf32, #tpu.memory_space<hbm>>) target(%dma_start3A_45 : memref<80x8xf32, #tpu.memory_space<vmem>>) offsets(%dma_start3A_48 : memref<80xi32, #tpu.memory_space<vmem>>) semaphore(%arg8 : memref<!tpu.dma_semaphore, #tpu.memory_space<semaphore_mem>>)
    %dma_start3A_52 = arith.constant 4 : i32
    %dma_start3A_53 = arith.constant 320 : i32
    %dma_start3A_54 = arith.constant 0 : i32
    %dma_start3A_55 = tpu.memref_slice %arg6[%dma_start3A_53, %dma_start3A_54] : memref<1600x8xf32, #tpu.memory_space<vmem>> -> memref<80x8xf32, #tpu.memory_space<vmem>>
    %dma_start3A_56 = arith.constant 0 : i32
    %dma_start3A_57 = tpu.memref_slice %arg5[%dma_start3A_52, %dma_start3A_56] : memref<1280x80xi32, #tpu.memory_space<vmem>> -> memref<1x80xi32, #tpu.memory_space<vmem>>
    %dma_start3A_58 = tpu.memref_squeeze %dma_start3A_57 : memref<1x80xi32, #tpu.memory_space<vmem>> -> memref<80xi32, #tpu.memory_space<vmem>>
    %dma_start3A_59 = arith.constant 0 : i32
    %dma_start3A_60 = arith.constant 0 : i32
    %dma_start3A_61 = tpu.memref_slice %arg3[%dma_start3A_59, %dma_start3A_60] : memref<1000064x8xf32, #tpu.memory_space<hbm>> -> memref<1000064x8xf32, #tpu.memory_space<hbm>>
    tpu.enqueue_indirect_dma source(%dma_start3A_61 : memref<1000064x8xf32, #tpu.memory_space<hbm>>) target(%dma_start3A_55 : memref<80x8xf32, #tpu.memory_space<vmem>>) offsets(%dma_start3A_58 : memref<80xi32, #tpu.memory_space<vmem>>) semaphore(%arg8 : memref<!tpu.dma_semaphore, #tpu.memory_space<semaphore_mem>>)
    %dma_start3A_62 = arith.constant 5 : i32
    %dma_start3A_63 = arith.constant 400 : i32
    %dma_start3A_64 = arith.constant 0 : i32
    %dma_start3A_65 = tpu.memref_slice %arg6[%dma_start3A_63, %dma_start3A_64] : memref<1600x8xf32, #tpu.memory_space<vmem>> -> memref<80x8xf32, #tpu.memory_space<vmem>>
    %dma_start3A_66 = arith.constant 0 : i32
    %dma_start3A_67 = tpu.memref_slice %arg5[%dma_start3A_62, %dma_start3A_66] : memref<1280x80xi32, #tpu.memory_space<vmem>> -> memref<1x80xi32, #tpu.memory_space<vmem>>
    %dma_start3A_68 = tpu.memref_squeeze %dma_start3A_67 : memref<1x80xi32, #tpu.memory_space<vmem>> -> memref<80xi32, #tpu.memory_space<vmem>>
    %dma_start3A_69 = arith.constant 0 : i32
    %dma_start3A_70 = arith.constant 0 : i32
    %dma_start3A_71 = tpu.memref_slice %arg3[%dma_start3A_69, %dma_start3A_70] : memref<1000064x8xf32, #tpu.memory_space<hbm>> -> memref<1000064x8xf32, #tpu.memory_space<hbm>>
    tpu.enqueue_indirect_dma source(%dma_start3A_71 : memref<1000064x8xf32, #tpu.memory_space<hbm>>) target(%dma_start3A_65 : memref<80x8xf32, #tpu.memory_space<vmem>>) offsets(%dma_start3A_68 : memref<80xi32, #tpu.memory_space<vmem>>) semaphore(%arg9 : memref<!tpu.dma_semaphore, #tpu.memory_space<semaphore_mem>>)
    %dma_start3A_72 = arith.constant 6 : i32
    %dma_start3A_73 = arith.constant 480 : i32
    %dma_start3A_74 = arith.constant 0 : i32
    %dma_start3A_75 = tpu.memref_slice %arg6[%dma_start3A_73, %dma_start3A_74] : memref<1600x8xf32, #tpu.memory_space<vmem>> -> memref<80x8xf32, #tpu.memory_space<vmem>>
    %dma_start3A_76 = arith.constant 0 : i32
    %dma_start3A_77 = tpu.memref_slice %arg5[%dma_start3A_72, %dma_start3A_76] : memref<1280x80xi32, #tpu.memory_space<vmem>> -> memref<1x80xi32, #tpu.memory_space<vmem>>
    %dma_start3A_78 = tpu.memref_squeeze %dma_start3A_77 : memref<1x80xi32, #tpu.memory_space<vmem>> -> memref<80xi32, #tpu.memory_space<vmem>>
    %dma_start3A_79 = arith.constant 0 : i32
    %dma_start3A_80 = arith.constant 0 : i32
    %dma_start3A_81 = tpu.memref_slice %arg3[%dma_start3A_79, %dma_start3A_80] : memref<1000064x8xf32, #tpu.memory_space<hbm>> -> memref<1000064x8xf32, #tpu.memory_space<hbm>>
    tpu.enqueue_indirect_dma source(%dma_start3A_81 : memref<1000064x8xf32, #tpu.memory_space<hbm>>) target(%dma_start3A_75 : memref<80x8xf32, #tpu.memory_space<vmem>>) offsets(%dma_start3A_78 : memref<80xi32, #tpu.memory_space<vmem>>) semaphore(%arg9 : memref<!tpu.dma_semaphore, #tpu.memory_space<semaphore_mem>>)
    %dma_start3A_82 = arith.constant 7 : i32
    %dma_start3A_83 = arith.constant 560 : i32
    %dma_start3A_84 = arith.constant 0 : i32
    %dma_start3A_85 = tpu.memref_slice %arg6[%dma_start3A_83, %dma_start3A_84] : memref<1600x8xf32, #tpu.memory_space<vmem>> -> memref<80x8xf32, #tpu.memory_space<vmem>>
    %dma_start3A_86 = arith.constant 0 : i32
    %dma_start3A_87 = tpu.memref_slice %arg5[%dma_start3A_82, %dma_start3A_86] : memref<1280x80xi32, #tpu.memory_space<vmem>> -> memref<1x80xi32, #tpu.memory_space<vmem>>
    %dma_start3A_88 = tpu.memref_squeeze %dma_start3A_87 : memref<1x80xi32, #tpu.memory_space<vmem>> -> memref<80xi32, #tpu.memory_space<vmem>>
    %dma_start3A_89 = arith.constant 0 : i32
    %dma_start3A_90 = arith.constant 0 : i32
    %dma_start3A_91 = tpu.memref_slice %arg3[%dma_start3A_89, %dma_start3A_90] : memref<1000064x8xf32, #tpu.memory_space<hbm>> -> memref<1000064x8xf32, #tpu.memory_space<hbm>>
    tpu.enqueue_indirect_dma source(%dma_start3A_91 : memref<1000064x8xf32, #tpu.memory_space<hbm>>) target(%dma_start3A_85 : memref<80x8xf32, #tpu.memory_space<vmem>>) offsets(%dma_start3A_88 : memref<80xi32, #tpu.memory_space<vmem>>) semaphore(%arg9 : memref<!tpu.dma_semaphore, #tpu.memory_space<semaphore_mem>>)
    %dma_start3A_92 = arith.constant 8 : i32
    %dma_start3A_93 = arith.constant 640 : i32
    %dma_start3A_94 = arith.constant 0 : i32
    %dma_start3A_95 = tpu.memref_slice %arg6[%dma_start3A_93, %dma_start3A_94] : memref<1600x8xf32, #tpu.memory_space<vmem>> -> memref<80x8xf32, #tpu.memory_space<vmem>>
    %dma_start3A_96 = arith.constant 0 : i32
    %dma_start3A_97 = tpu.memref_slice %arg5[%dma_start3A_92, %dma_start3A_96] : memref<1280x80xi32, #tpu.memory_space<vmem>> -> memref<1x80xi32, #tpu.memory_space<vmem>>
    %dma_start3A_98 = tpu.memref_squeeze %dma_start3A_97 : memref<1x80xi32, #tpu.memory_space<vmem>> -> memref<80xi32, #tpu.memory_space<vmem>>
    %dma_start3A_99 = arith.constant 0 : i32
    %dma_start3A_100 = arith.constant 0 : i32
    %dma_start3A_101 = tpu.memref_slice %arg3[%dma_start3A_99, %dma_start3A_100] : memref<1000064x8xf32, #tpu.memory_space<hbm>> -> memref<1000064x8xf32, #tpu.memory_space<hbm>>
    tpu.enqueue_indirect_dma source(%dma_start3A_101 : memref<1000064x8xf32, #tpu.memory_space<hbm>>) target(%dma_start3A_95 : memref<80x8xf32, #tpu.memory_space<vmem>>) offsets(%dma_start3A_98 : memref<80xi32, #tpu.memory_space<vmem>>) semaphore(%arg9 : memref<!tpu.dma_semaphore, #tpu.memory_space<semaphore_mem>>)
    %dma_start3A_102 = arith.constant 9 : i32
    %dma_start3A_103 = arith.constant 720 : i32
    %dma_start3A_104 = arith.constant 0 : i32
    %dma_start3A_105 = tpu.memref_slice %arg6[%dma_start3A_103, %dma_start3A_104] : memref<1600x8xf32, #tpu.memory_space<vmem>> -> memref<80x8xf32, #tpu.memory_space<vmem>>
    %dma_start3A_106 = arith.constant 0 : i32
    %dma_start3A_107 = tpu.memref_slice %arg5[%dma_start3A_102, %dma_start3A_106] : memref<1280x80xi32, #tpu.memory_space<vmem>> -> memref<1x80xi32, #tpu.memory_space<vmem>>
    %dma_start3A_108 = tpu.memref_squeeze %dma_start3A_107 : memref<1x80xi32, #tpu.memory_space<vmem>> -> memref<80xi32, #tpu.memory_space<vmem>>
    %dma_start3A_109 = arith.constant 0 : i32
    %dma_start3A_110 = arith.constant 0 : i32
    %dma_start3A_111 = tpu.memref_slice %arg3[%dma_start3A_109, %dma_start3A_110] : memref<1000064x8xf32, #tpu.memory_space<hbm>> -> memref<1000064x8xf32, #tpu.memory_space<hbm>>
    tpu.enqueue_indirect_dma source(%dma_start3A_111 : memref<1000064x8xf32, #tpu.memory_space<hbm>>) target(%dma_start3A_105 : memref<80x8xf32, #tpu.memory_space<vmem>>) offsets(%dma_start3A_108 : memref<80xi32, #tpu.memory_space<vmem>>) semaphore(%arg9 : memref<!tpu.dma_semaphore, #tpu.memory_space<semaphore_mem>>)
    %dma_start3A_112 = arith.constant 10 : i32
    %dma_start3A_113 = arith.constant 800 : i32
    %dma_start3A_114 = arith.constant 0 : i32
    %dma_start3A_115 = tpu.memref_slice %arg6[%dma_start3A_113, %dma_start3A_114] : memref<1600x8xf32, #tpu.memory_space<vmem>> -> memref<80x8xf32, #tpu.memory_space<vmem>>
    %dma_start3A_116 = arith.constant 0 : i32
    %dma_start3A_117 = tpu.memref_slice %arg5[%dma_start3A_112, %dma_start3A_116] : memref<1280x80xi32, #tpu.memory_space<vmem>> -> memref<1x80xi32, #tpu.memory_space<vmem>>
    %dma_start3A_118 = tpu.memref_squeeze %dma_start3A_117 : memref<1x80xi32, #tpu.memory_space<vmem>> -> memref<80xi32, #tpu.memory_space<vmem>>
    %dma_start3A_119 = arith.constant 0 : i32
    %dma_start3A_120 = arith.constant 0 : i32
    %dma_start3A_121 = tpu.memref_slice %arg3[%dma_start3A_119, %dma_start3A_120] : memref<1000064x8xf32, #tpu.memory_space<hbm>> -> memref<1000064x8xf32, #tpu.memory_space<hbm>>
    tpu.enqueue_indirect_dma source(%dma_start3A_121 : memref<1000064x8xf32, #tpu.memory_space<hbm>>) target(%dma_start3A_115 : memref<80x8xf32, #tpu.memory_space<vmem>>) offsets(%dma_start3A_118 : memref<80xi32, #tpu.memory_space<vmem>>) semaphore(%arg10 : memref<!tpu.dma_semaphore, #tpu.memory_space<semaphore_mem>>)
    %dma_start3A_122 = arith.constant 11 : i32
    %dma_start3A_123 = arith.constant 880 : i32
    %dma_start3A_124 = arith.constant 0 : i32
    %dma_start3A_125 = tpu.memref_slice %arg6[%dma_start3A_123, %dma_start3A_124] : memref<1600x8xf32, #tpu.memory_space<vmem>> -> memref<80x8xf32, #tpu.memory_space<vmem>>
    %dma_start3A_126 = arith.constant 0 : i32
    %dma_start3A_127 = tpu.memref_slice %arg5[%dma_start3A_122, %dma_start3A_126] : memref<1280x80xi32, #tpu.memory_space<vmem>> -> memref<1x80xi32, #tpu.memory_space<vmem>>
    %dma_start3A_128 = tpu.memref_squeeze %dma_start3A_127 : memref<1x80xi32, #tpu.memory_space<vmem>> -> memref<80xi32, #tpu.memory_space<vmem>>
    %dma_start3A_129 = arith.constant 0 : i32
    %dma_start3A_130 = arith.constant 0 : i32
    %dma_start3A_131 = tpu.memref_slice %arg3[%dma_start3A_129, %dma_start3A_130] : memref<1000064x8xf32, #tpu.memory_space<hbm>> -> memref<1000064x8xf32, #tpu.memory_space<hbm>>
    tpu.enqueue_indirect_dma source(%dma_start3A_131 : memref<1000064x8xf32, #tpu.memory_space<hbm>>) target(%dma_start3A_125 : memref<80x8xf32, #tpu.memory_space<vmem>>) offsets(%dma_start3A_128 : memref<80xi32, #tpu.memory_space<vmem>>) semaphore(%arg10 : memref<!tpu.dma_semaphore, #tpu.memory_space<semaphore_mem>>)
    %dma_start3A_132 = arith.constant 12 : i32
    %dma_start3A_133 = arith.constant 960 : i32
    %dma_start3A_134 = arith.constant 0 : i32
    %dma_start3A_135 = tpu.memref_slice %arg6[%dma_start3A_133, %dma_start3A_134] : memref<1600x8xf32, #tpu.memory_space<vmem>> -> memref<80x8xf32, #tpu.memory_space<vmem>>
    %dma_start3A_136 = arith.constant 0 : i32
    %dma_start3A_137 = tpu.memref_slice %arg5[%dma_start3A_132, %dma_start3A_136] : memref<1280x80xi32, #tpu.memory_space<vmem>> -> memref<1x80xi32, #tpu.memory_space<vmem>>
    %dma_start3A_138 = tpu.memref_squeeze %dma_start3A_137 : memref<1x80xi32, #tpu.memory_space<vmem>> -> memref<80xi32, #tpu.memory_space<vmem>>
    %dma_start3A_139 = arith.constant 0 : i32
    %dma_start3A_140 = arith.constant 0 : i32
    %dma_start3A_141 = tpu.memref_slice %arg3[%dma_start3A_139, %dma_start3A_140] : memref<1000064x8xf32, #tpu.memory_space<hbm>> -> memref<1000064x8xf32, #tpu.memory_space<hbm>>
    tpu.enqueue_indirect_dma source(%dma_start3A_141 : memref<1000064x8xf32, #tpu.memory_space<hbm>>) target(%dma_start3A_135 : memref<80x8xf32, #tpu.memory_space<vmem>>) offsets(%dma_start3A_138 : memref<80xi32, #tpu.memory_space<vmem>>) semaphore(%arg10 : memref<!tpu.dma_semaphore, #tpu.memory_space<semaphore_mem>>)
    %dma_start3A_142 = arith.constant 13 : i32
    %dma_start3A_143 = arith.constant 1040 : i32
    %dma_start3A_144 = arith.constant 0 : i32
    %dma_start3A_145 = tpu.memref_slice %arg6[%dma_start3A_143, %dma_start3A_144] : memref<1600x8xf32, #tpu.memory_space<vmem>> -> memref<80x8xf32, #tpu.memory_space<vmem>>
    %dma_start3A_146 = arith.constant 0 : i32
    %dma_start3A_147 = tpu.memref_slice %arg5[%dma_start3A_142, %dma_start3A_146] : memref<1280x80xi32, #tpu.memory_space<vmem>> -> memref<1x80xi32, #tpu.memory_space<vmem>>
    %dma_start3A_148 = tpu.memref_squeeze %dma_start3A_147 : memref<1x80xi32, #tpu.memory_space<vmem>> -> memref<80xi32, #tpu.memory_space<vmem>>
    %dma_start3A_149 = arith.constant 0 : i32
    %dma_start3A_150 = arith.constant 0 : i32
    %dma_start3A_151 = tpu.memref_slice %arg3[%dma_start3A_149, %dma_start3A_150] : memref<1000064x8xf32, #tpu.memory_space<hbm>> -> memref<1000064x8xf32, #tpu.memory_space<hbm>>
    tpu.enqueue_indirect_dma source(%dma_start3A_151 : memref<1000064x8xf32, #tpu.memory_space<hbm>>) target(%dma_start3A_145 : memref<80x8xf32, #tpu.memory_space<vmem>>) offsets(%dma_start3A_148 : memref<80xi32, #tpu.memory_space<vmem>>) semaphore(%arg10 : memref<!tpu.dma_semaphore, #tpu.memory_space<semaphore_mem>>)
    %dma_start3A_152 = arith.constant 14 : i32
    %dma_start3A_153 = arith.constant 1120 : i32
    %dma_start3A_154 = arith.constant 0 : i32
    %dma_start3A_155 = tpu.memref_slice %arg6[%dma_start3A_153, %dma_start3A_154] : memref<1600x8xf32, #tpu.memory_space<vmem>> -> memref<80x8xf32, #tpu.memory_space<vmem>>
    %dma_start3A_156 = arith.constant 0 : i32
    %dma_start3A_157 = tpu.memref_slice %arg5[%dma_start3A_152, %dma_start3A_156] : memref<1280x80xi32, #tpu.memory_space<vmem>> -> memref<1x80xi32, #tpu.memory_space<vmem>>
    %dma_start3A_158 = tpu.memref_squeeze %dma_start3A_157 : memref<1x80xi32, #tpu.memory_space<vmem>> -> memref<80xi32, #tpu.memory_space<vmem>>
    %dma_start3A_159 = arith.constant 0 : i32
    %dma_start3A_160 = arith.constant 0 : i32
    %dma_start3A_161 = tpu.memref_slice %arg3[%dma_start3A_159, %dma_start3A_160] : memref<1000064x8xf32, #tpu.memory_space<hbm>> -> memref<1000064x8xf32, #tpu.memory_space<hbm>>
    tpu.enqueue_indirect_dma source(%dma_start3A_161 : memref<1000064x8xf32, #tpu.memory_space<hbm>>) target(%dma_start3A_155 : memref<80x8xf32, #tpu.memory_space<vmem>>) offsets(%dma_start3A_158 : memref<80xi32, #tpu.memory_space<vmem>>) semaphore(%arg10 : memref<!tpu.dma_semaphore, #tpu.memory_space<semaphore_mem>>)
    %dma_start3A_162 = arith.constant 15 : i32
    %dma_start3A_163 = arith.constant 1200 : i32
    %dma_start3A_164 = arith.constant 0 : i32
    %dma_start3A_165 = tpu.memref_slice %arg6[%dma_start3A_163, %dma_start3A_164] : memref<1600x8xf32, #tpu.memory_space<vmem>> -> memref<80x8xf32, #tpu.memory_space<vmem>>
    %dma_start3A_166 = arith.constant 0 : i32
    %dma_start3A_167 = tpu.memref_slice %arg5[%dma_start3A_162, %dma_start3A_166] : memref<1280x80xi32, #tpu.memory_space<vmem>> -> memref<1x80xi32, #tpu.memory_space<vmem>>
    %dma_start3A_168 = tpu.memref_squeeze %dma_start3A_167 : memref<1x80xi32, #tpu.memory_space<vmem>> -> memref<80xi32, #tpu.memory_space<vmem>>
    %dma_start3A_169 = arith.constant 0 : i32
    %dma_start3A_170 = arith.constant 0 : i32
    %dma_start3A_171 = tpu.memref_slice %arg3[%dma_start3A_169, %dma_start3A_170] : memref<1000064x8xf32, #tpu.memory_space<hbm>> -> memref<1000064x8xf32, #tpu.memory_space<hbm>>
    tpu.enqueue_indirect_dma source(%dma_start3A_171 : memref<1000064x8xf32, #tpu.memory_space<hbm>>) target(%dma_start3A_165 : memref<80x8xf32, #tpu.memory_space<vmem>>) offsets(%dma_start3A_168 : memref<80xi32, #tpu.memory_space<vmem>>) semaphore(%arg11 : memref<!tpu.dma_semaphore, #tpu.memory_space<semaphore_mem>>)
    %dma_start3A_172 = arith.constant 16 : i32
    %dma_start3A_173 = arith.constant 1280 : i32
    %dma_start3A_174 = arith.constant 0 : i32
    %dma_start3A_175 = tpu.memref_slice %arg6[%dma_start3A_173, %dma_start3A_174] : memref<1600x8xf32, #tpu.memory_space<vmem>> -> memref<80x8xf32, #tpu.memory_space<vmem>>
    %dma_start3A_176 = arith.constant 0 : i32
    %dma_start3A_177 = tpu.memref_slice %arg5[%dma_start3A_172, %dma_start3A_176] : memref<1280x80xi32, #tpu.memory_space<vmem>> -> memref<1x80xi32, #tpu.memory_space<vmem>>
    %dma_start3A_178 = tpu.memref_squeeze %dma_start3A_177 : memref<1x80xi32, #tpu.memory_space<vmem>> -> memref<80xi32, #tpu.memory_space<vmem>>
    %dma_start3A_179 = arith.constant 0 : i32
    %dma_start3A_180 = arith.constant 0 : i32
    %dma_start3A_181 = tpu.memref_slice %arg3[%dma_start3A_179, %dma_start3A_180] : memref<1000064x8xf32, #tpu.memory_space<hbm>> -> memref<1000064x8xf32, #tpu.memory_space<hbm>>
    tpu.enqueue_indirect_dma source(%dma_start3A_181 : memref<1000064x8xf32, #tpu.memory_space<hbm>>) target(%dma_start3A_175 : memref<80x8xf32, #tpu.memory_space<vmem>>) offsets(%dma_start3A_178 : memref<80xi32, #tpu.memory_space<vmem>>) semaphore(%arg11 : memref<!tpu.dma_semaphore, #tpu.memory_space<semaphore_mem>>)
    %dma_start3A_182 = arith.constant 17 : i32
    %dma_start3A_183 = arith.constant 1360 : i32
    %dma_start3A_184 = arith.constant 0 : i32
    %dma_start3A_185 = tpu.memref_slice %arg6[%dma_start3A_183, %dma_start3A_184] : memref<1600x8xf32, #tpu.memory_space<vmem>> -> memref<80x8xf32, #tpu.memory_space<vmem>>
    %dma_start3A_186 = arith.constant 0 : i32
    %dma_start3A_187 = tpu.memref_slice %arg5[%dma_start3A_182, %dma_start3A_186] : memref<1280x80xi32, #tpu.memory_space<vmem>> -> memref<1x80xi32, #tpu.memory_space<vmem>>
    %dma_start3A_188 = tpu.memref_squeeze %dma_start3A_187 : memref<1x80xi32, #tpu.memory_space<vmem>> -> memref<80xi32, #tpu.memory_space<vmem>>
    %dma_start3A_189 = arith.constant 0 : i32
    %dma_start3A_190 = arith.constant 0 : i32
    %dma_start3A_191 = tpu.memref_slice %arg3[%dma_start3A_189, %dma_start3A_190] : memref<1000064x8xf32, #tpu.memory_space<hbm>> -> memref<1000064x8xf32, #tpu.memory_space<hbm>>
    tpu.enqueue_indirect_dma source(%dma_start3A_191 : memref<1000064x8xf32, #tpu.memory_space<hbm>>) target(%dma_start3A_185 : memref<80x8xf32, #tpu.memory_space<vmem>>) offsets(%dma_start3A_188 : memref<80xi32, #tpu.memory_space<vmem>>) semaphore(%arg11 : memref<!tpu.dma_semaphore, #tpu.memory_space<semaphore_mem>>)
    %dma_start3A_192 = arith.constant 18 : i32
    %dma_start3A_193 = arith.constant 1440 : i32
    %dma_start3A_194 = arith.constant 0 : i32
    %dma_start3A_195 = tpu.memref_slice %arg6[%dma_start3A_193, %dma_start3A_194] : memref<1600x8xf32, #tpu.memory_space<vmem>> -> memref<80x8xf32, #tpu.memory_space<vmem>>
    %dma_start3A_196 = arith.constant 0 : i32
    %dma_start3A_197 = tpu.memref_slice %arg5[%dma_start3A_192, %dma_start3A_196] : memref<1280x80xi32, #tpu.memory_space<vmem>> -> memref<1x80xi32, #tpu.memory_space<vmem>>
    %dma_start3A_198 = tpu.memref_squeeze %dma_start3A_197 : memref<1x80xi32, #tpu.memory_space<vmem>> -> memref<80xi32, #tpu.memory_space<vmem>>
    %dma_start3A_199 = arith.constant 0 : i32
    %dma_start3A_200 = arith.constant 0 : i32
    %dma_start3A_201 = tpu.memref_slice %arg3[%dma_start3A_199, %dma_start3A_200] : memref<1000064x8xf32, #tpu.memory_space<hbm>> -> memref<1000064x8xf32, #tpu.memory_space<hbm>>
    tpu.enqueue_indirect_dma source(%dma_start3A_201 : memref<1000064x8xf32, #tpu.memory_space<hbm>>) target(%dma_start3A_195 : memref<80x8xf32, #tpu.memory_space<vmem>>) offsets(%dma_start3A_198 : memref<80xi32, #tpu.memory_space<vmem>>) semaphore(%arg11 : memref<!tpu.dma_semaphore, #tpu.memory_space<semaphore_mem>>)
    %dma_start3A_202 = arith.constant 19 : i32
    %dma_start3A_203 = arith.constant 1520 : i32
    %dma_start3A_204 = arith.constant 0 : i32
    %dma_start3A_205 = tpu.memref_slice %arg6[%dma_start3A_203, %dma_start3A_204] : memref<1600x8xf32, #tpu.memory_space<vmem>> -> memref<80x8xf32, #tpu.memory_space<vmem>>
    %dma_start3A_206 = arith.constant 0 : i32
    %dma_start3A_207 = tpu.memref_slice %arg5[%dma_start3A_202, %dma_start3A_206] : memref<1280x80xi32, #tpu.memory_space<vmem>> -> memref<1x80xi32, #tpu.memory_space<vmem>>
    %dma_start3A_208 = tpu.memref_squeeze %dma_start3A_207 : memref<1x80xi32, #tpu.memory_space<vmem>> -> memref<80xi32, #tpu.memory_space<vmem>>
    %dma_start3A_209 = arith.constant 0 : i32
    %dma_start3A_210 = arith.constant 0 : i32
    %dma_start3A_211 = tpu.memref_slice %arg3[%dma_start3A_209, %dma_start3A_210] : memref<1000064x8xf32, #tpu.memory_space<hbm>> -> memref<1000064x8xf32, #tpu.memory_space<hbm>>
    tpu.enqueue_indirect_dma source(%dma_start3A_211 : memref<1000064x8xf32, #tpu.memory_space<hbm>>) target(%dma_start3A_205 : memref<80x8xf32, #tpu.memory_space<vmem>>) offsets(%dma_start3A_208 : memref<80xi32, #tpu.memory_space<vmem>>) semaphore(%arg11 : memref<!tpu.dma_semaphore, #tpu.memory_space<semaphore_mem>>)
    %scan3A = arith.constant 0 : i32
    %scan3A_212 = arith.constant 0 : i32
    %scan3A_213 = arith.constant 256 : i32
    %scan3A_214 = arith.addi %scan3A_212, %scan3A_213 : i32
    %scan3A_215 = arith.constant 1 : i32
    %scan3A_216 = scf.for %scan3A_218 = %scan3A_212 to %scan3A_214 step %scan3A_215 iter_args(%scan3A_219 = %scan3A) -> (i32)  : i32 {
      %and3A_220 = arith.constant 3 : i32
      %and3A_221 = arith.andi %scan3A_218, %and3A_220 : i32
      %mul3A_222 = arith.constant 400 : i32
      %mul3A_223 = arith.muli %and3A_221, %mul3A_222 : i32
      %eq3A = arith.constant 0 : i32
      %eq3A_224 = arith.cmpi eq, %and3A_221, %eq3A : i32
      %convert_element_type3A = arith.extui %eq3A_224 : i1 to i32
      %cond3A = arith.constant 0 : i32
      %cond3A_225 = arith.cmpi ne, %convert_element_type3A, %cond3A : i32
      scf.if %cond3A_225 {
        %dma_wait3A = arith.constant 0 : i32
        %dma_wait3A_274 = arith.constant 0 : i32
        %dma_wait3A_275 = tpu.memref_slice %arg6[%dma_wait3A, %dma_wait3A_274] : memref<1600x8xf32, #tpu.memory_space<vmem>> -> memref<400x8xf32, #tpu.memory_space<vmem>>
        %dma_wait3A_276 = arith.constant 0 : i32
        %dma_wait3A_277 = arith.constant 0 : i32
        %dma_wait3A_278 = tpu.memref_slice %arg3[%dma_wait3A_276, %dma_wait3A_277] : memref<1000064x8xf32, #tpu.memory_space<hbm>> -> memref<400x8xf32, #tpu.memory_space<hbm>>
        %dma_wait3A_279 = arith.constant 0 : i32
        %dma_wait3A_280 = arith.constant 0 : i32
        %dma_wait3A_281 = tpu.memref_slice %arg6[%dma_wait3A_279, %dma_wait3A_280] : memref<1600x8xf32, #tpu.memory_space<vmem>> -> memref<400x8xf32, #tpu.memory_space<vmem>>
        %dma_wait3A_282 = arith.constant 0 : i32
        %dma_wait3A_283 = arith.constant 0 : i32
        %dma_wait3A_284 = tpu.memref_slice %arg3[%dma_wait3A_282, %dma_wait3A_283] : memref<1000064x8xf32, #tpu.memory_space<hbm>> -> memref<400x8xf32, #tpu.memory_space<hbm>>
        tpu.wait_dma2 semaphore(%arg8 : memref<!tpu.dma_semaphore, #tpu.memory_space<semaphore_mem>>) src(%dma_wait3A_284 : memref<400x8xf32, #tpu.memory_space<hbm>>) dst(%dma_wait3A_281 : memref<400x8xf32, #tpu.memory_space<vmem>>)
      } else {
      }
      %eq3A_226 = arith.constant 1 : i32
      %eq3A_227 = arith.cmpi eq, %and3A_221, %eq3A_226 : i32
      %convert_element_type3A_228 = arith.extui %eq3A_227 : i1 to i32
      %cond3A_229 = arith.constant 0 : i32
      %cond3A_230 = arith.cmpi ne, %convert_element_type3A_228, %cond3A_229 : i32
      scf.if %cond3A_230 {
        %dma_wait3A = arith.constant 400 : i32
        %dma_wait3A_274 = arith.constant 0 : i32
        %dma_wait3A_275 = tpu.memref_slice %arg6[%dma_wait3A, %dma_wait3A_274] : memref<1600x8xf32, #tpu.memory_space<vmem>> -> memref<400x8xf32, #tpu.memory_space<vmem>>
        %dma_wait3A_276 = arith.constant 0 : i32
        %dma_wait3A_277 = arith.constant 0 : i32
        %dma_wait3A_278 = tpu.memref_slice %arg3[%dma_wait3A_276, %dma_wait3A_277] : memref<1000064x8xf32, #tpu.memory_space<hbm>> -> memref<400x8xf32, #tpu.memory_space<hbm>>
        %dma_wait3A_279 = arith.constant 400 : i32
        %dma_wait3A_280 = arith.constant 0 : i32
        %dma_wait3A_281 = tpu.memref_slice %arg6[%dma_wait3A_279, %dma_wait3A_280] : memref<1600x8xf32, #tpu.memory_space<vmem>> -> memref<400x8xf32, #tpu.memory_space<vmem>>
        %dma_wait3A_282 = arith.constant 0 : i32
        %dma_wait3A_283 = arith.constant 0 : i32
        %dma_wait3A_284 = tpu.memref_slice %arg3[%dma_wait3A_282, %dma_wait3A_283] : memref<1000064x8xf32, #tpu.memory_space<hbm>> -> memref<400x8xf32, #tpu.memory_space<hbm>>
        tpu.wait_dma2 semaphore(%arg9 : memref<!tpu.dma_semaphore, #tpu.memory_space<semaphore_mem>>) src(%dma_wait3A_284 : memref<400x8xf32, #tpu.memory_space<hbm>>) dst(%dma_wait3A_281 : memref<400x8xf32, #tpu.memory_space<vmem>>)
      } else {
      }
      %eq3A_231 = arith.constant 2 : i32
      %eq3A_232 = arith.cmpi eq, %and3A_221, %eq3A_231 : i32
      %convert_element_type3A_233 = arith.extui %eq3A_232 : i1 to i32
      %cond3A_234 = arith.constant 0 : i32
      %cond3A_235 = arith.cmpi ne, %convert_element_type3A_233, %cond3A_234 : i32
      scf.if %cond3A_235 {
        %dma_wait3A = arith.constant 800 : i32
        %dma_wait3A_274 = arith.constant 0 : i32
        %dma_wait3A_275 = tpu.memref_slice %arg6[%dma_wait3A, %dma_wait3A_274] : memref<1600x8xf32, #tpu.memory_space<vmem>> -> memref<400x8xf32, #tpu.memory_space<vmem>>
        %dma_wait3A_276 = arith.constant 0 : i32
        %dma_wait3A_277 = arith.constant 0 : i32
        %dma_wait3A_278 = tpu.memref_slice %arg3[%dma_wait3A_276, %dma_wait3A_277] : memref<1000064x8xf32, #tpu.memory_space<hbm>> -> memref<400x8xf32, #tpu.memory_space<hbm>>
        %dma_wait3A_279 = arith.constant 800 : i32
        %dma_wait3A_280 = arith.constant 0 : i32
        %dma_wait3A_281 = tpu.memref_slice %arg6[%dma_wait3A_279, %dma_wait3A_280] : memref<1600x8xf32, #tpu.memory_space<vmem>> -> memref<400x8xf32, #tpu.memory_space<vmem>>
        %dma_wait3A_282 = arith.constant 0 : i32
        %dma_wait3A_283 = arith.constant 0 : i32
        %dma_wait3A_284 = tpu.memref_slice %arg3[%dma_wait3A_282, %dma_wait3A_283] : memref<1000064x8xf32, #tpu.memory_space<hbm>> -> memref<400x8xf32, #tpu.memory_space<hbm>>
        tpu.wait_dma2 semaphore(%arg10 : memref<!tpu.dma_semaphore, #tpu.memory_space<semaphore_mem>>) src(%dma_wait3A_284 : memref<400x8xf32, #tpu.memory_space<hbm>>) dst(%dma_wait3A_281 : memref<400x8xf32, #tpu.memory_space<vmem>>)
      } else {
      }
      %eq3A_236 = arith.constant 3 : i32
      %eq3A_237 = arith.cmpi eq, %and3A_221, %eq3A_236 : i32
      %convert_element_type3A_238 = arith.extui %eq3A_237 : i1 to i32
      %cond3A_239 = arith.constant 0 : i32
      %cond3A_240 = arith.cmpi ne, %convert_element_type3A_238, %cond3A_239 : i32
      scf.if %cond3A_240 {
        %dma_wait3A = arith.constant 1200 : i32
        %dma_wait3A_274 = arith.constant 0 : i32
        %dma_wait3A_275 = tpu.memref_slice %arg6[%dma_wait3A, %dma_wait3A_274] : memref<1600x8xf32, #tpu.memory_space<vmem>> -> memref<400x8xf32, #tpu.memory_space<vmem>>
        %dma_wait3A_276 = arith.constant 0 : i32
        %dma_wait3A_277 = arith.constant 0 : i32
        %dma_wait3A_278 = tpu.memref_slice %arg3[%dma_wait3A_276, %dma_wait3A_277] : memref<1000064x8xf32, #tpu.memory_space<hbm>> -> memref<400x8xf32, #tpu.memory_space<hbm>>
        %dma_wait3A_279 = arith.constant 1200 : i32
        %dma_wait3A_280 = arith.constant 0 : i32
        %dma_wait3A_281 = tpu.memref_slice %arg6[%dma_wait3A_279, %dma_wait3A_280] : memref<1600x8xf32, #tpu.memory_space<vmem>> -> memref<400x8xf32, #tpu.memory_space<vmem>>
        %dma_wait3A_282 = arith.constant 0 : i32
        %dma_wait3A_283 = arith.constant 0 : i32
        %dma_wait3A_284 = tpu.memref_slice %arg3[%dma_wait3A_282, %dma_wait3A_283] : memref<1000064x8xf32, #tpu.memory_space<hbm>> -> memref<400x8xf32, #tpu.memory_space<hbm>>
        tpu.wait_dma2 semaphore(%arg11 : memref<!tpu.dma_semaphore, #tpu.memory_space<semaphore_mem>>) src(%dma_wait3A_284 : memref<400x8xf32, #tpu.memory_space<hbm>>) dst(%dma_wait3A_281 : memref<400x8xf32, #tpu.memory_space<vmem>>)
      } else {
      }
      %broadcast_in_dim3A_241 = arith.constant 0.000000e+00 : f32
      %broadcast_in_dim3A_242 = vector.broadcast %broadcast_in_dim3A_241 : f32 to vector<16xf32>
      %add3A_243 = vector.broadcast %mul3A_223 : i32 to vector<16xi32>
      %add3A_244 = arith.addi %select_n3A, %add3A_243 : vector<16xi32>
      %add3A_245 = arith.constant 1 : i32
      %add3A_246 = vector.broadcast %add3A_245 : i32 to vector<16xi32>
      %add3A_247 = arith.addi %add3A_244, %add3A_246 : vector<16xi32>
      %add3A_248 = arith.constant 2 : i32
      %add3A_249 = vector.broadcast %add3A_248 : i32 to vector<16xi32>
      %add3A_250 = arith.addi %add3A_244, %add3A_249 : vector<16xi32>
      %add3A_251 = arith.constant 3 : i32
      %add3A_252 = vector.broadcast %add3A_251 : i32 to vector<16xi32>
      %add3A_253 = arith.addi %add3A_244, %add3A_252 : vector<16xi32>
      %scan3A_254 = arith.constant 0 : i32
      %scan3A_255 = arith.constant 50 : i32
      %scan3A_256 = arith.addi %scan3A_254, %scan3A_255 : i32
      %scan3A_257 = arith.constant 5 : i32
      %scan3A_258:8 = scf.for %scan3A_274 = %scan3A_254 to %scan3A_256 step %scan3A_257 iter_args(%scan3A_275 = %broadcast_in_dim3A_242, %scan3A_276 = %broadcast_in_dim3A_242, %scan3A_277 = %broadcast_in_dim3A_242, %scan3A_278 = %broadcast_in_dim3A_242, %scan3A_279 = %add3A_244, %scan3A_280 = %add3A_247, %scan3A_281 = %add3A_250, %scan3A_282 = %add3A_253) -> (vector<16xf32>, vector<16xf32>, vector<16xf32>, vector<16xf32>, vector<16xi32>, vector<16xi32>, vector<16xi32>, vector<16xi32>)  : i32 {
        %gather3A = tpu.vector_load_idx %arg6[%scan3A_279, %and3A_4] : memref<1600x8xf32, #tpu.memory_space<vmem>>[vector<16xi32>, vector<16xi32>], vector<16xf32>,
        %add3A_283 = arith.addf %scan3A_275, %gather3A : vector<16xf32>
        %gather3A_284 = tpu.vector_load_idx %arg6[%scan3A_280, %and3A_4] : memref<1600x8xf32, #tpu.memory_space<vmem>>[vector<16xi32>, vector<16xi32>], vector<16xf32>,
        %add3A_285 = arith.addf %scan3A_276, %gather3A_284 : vector<16xf32>
        %gather3A_286 = tpu.vector_load_idx %arg6[%scan3A_281, %and3A_4] : memref<1600x8xf32, #tpu.memory_space<vmem>>[vector<16xi32>, vector<16xi32>], vector<16xf32>,
        %add3A_287 = arith.addf %scan3A_277, %gather3A_286 : vector<16xf32>
        %gather3A_288 = tpu.vector_load_idx %arg6[%scan3A_282, %and3A_4] : memref<1600x8xf32, #tpu.memory_space<vmem>>[vector<16xi32>, vector<16xi32>], vector<16xf32>,
        %add3A_289 = arith.addf %scan3A_278, %gather3A_288 : vector<16xf32>
        %add3A_290 = arith.addi %scan3A_279, %broadcast_in_dim3A_10 : vector<16xi32>
        %add3A_291 = arith.addi %scan3A_280, %broadcast_in_dim3A_10 : vector<16xi32>
        %add3A_292 = arith.addi %scan3A_281, %broadcast_in_dim3A_10 : vector<16xi32>
        %add3A_293 = arith.addi %scan3A_282, %broadcast_in_dim3A_10 : vector<16xi32>
        %scan3A_294 = arith.constant 1 : i32
        %scan3A_295 = arith.addi %scan3A_274, %scan3A_294 : i32
        %gather3A_296 = tpu.vector_load_idx %arg6[%add3A_290, %and3A_4] : memref<1600x8xf32, #tpu.memory_space<vmem>>[vector<16xi32>, vector<16xi32>], vector<16xf32>,
        %add3A_297 = arith.addf %add3A_283, %gather3A_296 : vector<16xf32>
        %gather3A_298 = tpu.vector_load_idx %arg6[%add3A_291, %and3A_4] : memref<1600x8xf32, #tpu.memory_space<vmem>>[vector<16xi32>, vector<16xi32>], vector<16xf32>,
        %add3A_299 = arith.addf %add3A_285, %gather3A_298 : vector<16xf32>
        %gather3A_300 = tpu.vector_load_idx %arg6[%add3A_292, %and3A_4] : memref<1600x8xf32, #tpu.memory_space<vmem>>[vector<16xi32>, vector<16xi32>], vector<16xf32>,
        %add3A_301 = arith.addf %add3A_287, %gather3A_300 : vector<16xf32>
        %gather3A_302 = tpu.vector_load_idx %arg6[%add3A_293, %and3A_4] : memref<1600x8xf32, #tpu.memory_space<vmem>>[vector<16xi32>, vector<16xi32>], vector<16xf32>,
        %add3A_303 = arith.addf %add3A_289, %gather3A_302 : vector<16xf32>
        %add3A_304 = arith.addi %add3A_290, %broadcast_in_dim3A_10 : vector<16xi32>
        %add3A_305 = arith.addi %add3A_291, %broadcast_in_dim3A_10 : vector<16xi32>
        %add3A_306 = arith.addi %add3A_292, %broadcast_in_dim3A_10 : vector<16xi32>
        %add3A_307 = arith.addi %add3A_293, %broadcast_in_dim3A_10 : vector<16xi32>
        %scan3A_308 = arith.constant 2 : i32
        %scan3A_309 = arith.addi %scan3A_274, %scan3A_308 : i32
        %gather3A_310 = tpu.vector_load_idx %arg6[%add3A_304, %and3A_4] : memref<1600x8xf32, #tpu.memory_space<vmem>>[vector<16xi32>, vector<16xi32>], vector<16xf32>,
        %add3A_311 = arith.addf %add3A_297, %gather3A_310 : vector<16xf32>
        %gather3A_312 = tpu.vector_load_idx %arg6[%add3A_305, %and3A_4] : memref<1600x8xf32, #tpu.memory_space<vmem>>[vector<16xi32>, vector<16xi32>], vector<16xf32>,
        %add3A_313 = arith.addf %add3A_299, %gather3A_312 : vector<16xf32>
        %gather3A_314 = tpu.vector_load_idx %arg6[%add3A_306, %and3A_4] : memref<1600x8xf32, #tpu.memory_space<vmem>>[vector<16xi32>, vector<16xi32>], vector<16xf32>,
        %add3A_315 = arith.addf %add3A_301, %gather3A_314 : vector<16xf32>
        %gather3A_316 = tpu.vector_load_idx %arg6[%add3A_307, %and3A_4] : memref<1600x8xf32, #tpu.memory_space<vmem>>[vector<16xi32>, vector<16xi32>], vector<16xf32>,
        %add3A_317 = arith.addf %add3A_303, %gather3A_316 : vector<16xf32>
        %add3A_318 = arith.addi %add3A_304, %broadcast_in_dim3A_10 : vector<16xi32>
        %add3A_319 = arith.addi %add3A_305, %broadcast_in_dim3A_10 : vector<16xi32>
        %add3A_320 = arith.addi %add3A_306, %broadcast_in_dim3A_10 : vector<16xi32>
        %add3A_321 = arith.addi %add3A_307, %broadcast_in_dim3A_10 : vector<16xi32>
        %scan3A_322 = arith.constant 3 : i32
        %scan3A_323 = arith.addi %scan3A_274, %scan3A_322 : i32
        %gather3A_324 = tpu.vector_load_idx %arg6[%add3A_318, %and3A_4] : memref<1600x8xf32, #tpu.memory_space<vmem>>[vector<16xi32>, vector<16xi32>], vector<16xf32>,
        %add3A_325 = arith.addf %add3A_311, %gather3A_324 : vector<16xf32>
        %gather3A_326 = tpu.vector_load_idx %arg6[%add3A_319, %and3A_4] : memref<1600x8xf32, #tpu.memory_space<vmem>>[vector<16xi32>, vector<16xi32>], vector<16xf32>,
        %add3A_327 = arith.addf %add3A_313, %gather3A_326 : vector<16xf32>
        %gather3A_328 = tpu.vector_load_idx %arg6[%add3A_320, %and3A_4] : memref<1600x8xf32, #tpu.memory_space<vmem>>[vector<16xi32>, vector<16xi32>], vector<16xf32>,
        %add3A_329 = arith.addf %add3A_315, %gather3A_328 : vector<16xf32>
        %gather3A_330 = tpu.vector_load_idx %arg6[%add3A_321, %and3A_4] : memref<1600x8xf32, #tpu.memory_space<vmem>>[vector<16xi32>, vector<16xi32>], vector<16xf32>,
        %add3A_331 = arith.addf %add3A_317, %gather3A_330 : vector<16xf32>
        %add3A_332 = arith.addi %add3A_318, %broadcast_in_dim3A_10 : vector<16xi32>
        %add3A_333 = arith.addi %add3A_319, %broadcast_in_dim3A_10 : vector<16xi32>
        %add3A_334 = arith.addi %add3A_320, %broadcast_in_dim3A_10 : vector<16xi32>
        %add3A_335 = arith.addi %add3A_321, %broadcast_in_dim3A_10 : vector<16xi32>
        %scan3A_336 = arith.constant 4 : i32
        %scan3A_337 = arith.addi %scan3A_274, %scan3A_336 : i32
        %gather3A_338 = tpu.vector_load_idx %arg6[%add3A_332, %and3A_4] : memref<1600x8xf32, #tpu.memory_space<vmem>>[vector<16xi32>, vector<16xi32>], vector<16xf32>,
        %add3A_339 = arith.addf %add3A_325, %gather3A_338 : vector<16xf32>
        %gather3A_340 = tpu.vector_load_idx %arg6[%add3A_333, %and3A_4] : memref<1600x8xf32, #tpu.memory_space<vmem>>[vector<16xi32>, vector<16xi32>], vector<16xf32>,
        %add3A_341 = arith.addf %add3A_327, %gather3A_340 : vector<16xf32>
        %gather3A_342 = tpu.vector_load_idx %arg6[%add3A_334, %and3A_4] : memref<1600x8xf32, #tpu.memory_space<vmem>>[vector<16xi32>, vector<16xi32>], vector<16xf32>,
        %add3A_343 = arith.addf %add3A_329, %gather3A_342 : vector<16xf32>
        %gather3A_344 = tpu.vector_load_idx %arg6[%add3A_335, %and3A_4] : memref<1600x8xf32, #tpu.memory_space<vmem>>[vector<16xi32>, vector<16xi32>], vector<16xf32>,
        %add3A_345 = arith.addf %add3A_331, %gather3A_344 : vector<16xf32>
        %add3A_346 = arith.addi %add3A_332, %broadcast_in_dim3A_10 : vector<16xi32>
        %add3A_347 = arith.addi %add3A_333, %broadcast_in_dim3A_10 : vector<16xi32>
        %add3A_348 = arith.addi %add3A_334, %broadcast_in_dim3A_10 : vector<16xi32>
        %add3A_349 = arith.addi %add3A_335, %broadcast_in_dim3A_10 : vector<16xi32>
        scf.yield %add3A_339, %add3A_341, %add3A_343, %add3A_345, %add3A_346, %add3A_347, %add3A_348, %add3A_349 : vector<16xf32>, vector<16xf32>, vector<16xf32>, vector<16xf32>, vector<16xi32>, vector<16xi32>, vector<16xi32>, vector<16xi32>
      }
      %scan3A_259 = arith.constant 50 : i32
      %add3A_260 = arith.addf %scan3A_258#0, %scan3A_258#1 : vector<16xf32>
      %add3A_261 = arith.addf %scan3A_258#2, %scan3A_258#3 : vector<16xf32>
      %add3A_262 = arith.addf %add3A_260, %add3A_261 : vector<16xf32>
      %lt3A = arith.constant 252 : i32
      %lt3A_263 = arith.cmpi slt, %scan3A_218, %lt3A : i32
      %convert_element_type3A_264 = arith.extui %lt3A_263 : i1 to i32
      %cond3A_265 = arith.constant 0 : i32
      %cond3A_266 = arith.cmpi ne, %convert_element_type3A_264, %cond3A_265 : i32
      scf.if %cond3A_266 {
        %eq3A_274 = arith.constant 0 : i32
        %eq3A_275 = arith.cmpi eq, %and3A_221, %eq3A_274 : i32
        %convert_element_type3A_276 = arith.extui %eq3A_275 : i1 to i32
        %cond3A_277 = arith.constant 0 : i32
        %cond3A_278 = arith.cmpi ne, %convert_element_type3A_276, %cond3A_277 : i32
        scf.if %cond3A_278 {
          %add3A_294 = arith.constant 4 : i32
          %add3A_295 = arith.addi %scan3A_218, %add3A_294 : i32
          %mul3A_296 = arith.constant 5 : i32
          %mul3A_297 = arith.muli %add3A_295, %mul3A_296 : i32
          %add3A_298 = arith.constant 0 : i32
          %add3A_299 = arith.addi %mul3A_297, %add3A_298 : i32
          %dma_start3A_300 = arith.constant 0 : i32
          %dma_start3A_301 = arith.constant 0 : i32
          %dma_start3A_302 = tpu.memref_slice %arg6[%dma_start3A_300, %dma_start3A_301] : memref<1600x8xf32, #tpu.memory_space<vmem>> -> memref<80x8xf32, #tpu.memory_space<vmem>>
          %dma_start3A_303 = arith.constant 0 : i32
          %dma_start3A_304 = tpu.memref_slice %arg5[%add3A_299, %dma_start3A_303] : memref<1280x80xi32, #tpu.memory_space<vmem>> -> memref<1x80xi32, #tpu.memory_space<vmem>>
          %dma_start3A_305 = tpu.memref_squeeze %dma_start3A_304 : memref<1x80xi32, #tpu.memory_space<vmem>> -> memref<80xi32, #tpu.memory_space<vmem>>
          %dma_start3A_306 = arith.constant 0 : i32
          %dma_start3A_307 = arith.constant 0 : i32
          %dma_start3A_308 = tpu.memref_slice %arg3[%dma_start3A_306, %dma_start3A_307] : memref<1000064x8xf32, #tpu.memory_space<hbm>> -> memref<1000064x8xf32, #tpu.memory_space<hbm>>
          tpu.enqueue_indirect_dma source(%dma_start3A_308 : memref<1000064x8xf32, #tpu.memory_space<hbm>>) target(%dma_start3A_302 : memref<80x8xf32, #tpu.memory_space<vmem>>) offsets(%dma_start3A_305 : memref<80xi32, #tpu.memory_space<vmem>>) semaphore(%arg8 : memref<!tpu.dma_semaphore, #tpu.memory_space<semaphore_mem>>)
          %mul3A_309 = arith.constant 5 : i32
          %mul3A_310 = arith.muli %add3A_295, %mul3A_309 : i32
          %add3A_311 = arith.constant 1 : i32
          %add3A_312 = arith.addi %mul3A_310, %add3A_311 : i32
          %dma_start3A_313 = arith.constant 80 : i32
          %dma_start3A_314 = arith.constant 0 : i32
          %dma_start3A_315 = tpu.memref_slice %arg6[%dma_start3A_313, %dma_start3A_314] : memref<1600x8xf32, #tpu.memory_space<vmem>> -> memref<80x8xf32, #tpu.memory_space<vmem>>
          %dma_start3A_316 = arith.constant 0 : i32
          %dma_start3A_317 = tpu.memref_slice %arg5[%add3A_312, %dma_start3A_316] : memref<1280x80xi32, #tpu.memory_space<vmem>> -> memref<1x80xi32, #tpu.memory_space<vmem>>
          %dma_start3A_318 = tpu.memref_squeeze %dma_start3A_317 : memref<1x80xi32, #tpu.memory_space<vmem>> -> memref<80xi32, #tpu.memory_space<vmem>>
          %dma_start3A_319 = arith.constant 0 : i32
          %dma_start3A_320 = arith.constant 0 : i32
          %dma_start3A_321 = tpu.memref_slice %arg3[%dma_start3A_319, %dma_start3A_320] : memref<1000064x8xf32, #tpu.memory_space<hbm>> -> memref<1000064x8xf32, #tpu.memory_space<hbm>>
          tpu.enqueue_indirect_dma source(%dma_start3A_321 : memref<1000064x8xf32, #tpu.memory_space<hbm>>) target(%dma_start3A_315 : memref<80x8xf32, #tpu.memory_space<vmem>>) offsets(%dma_start3A_318 : memref<80xi32, #tpu.memory_space<vmem>>) semaphore(%arg8 : memref<!tpu.dma_semaphore, #tpu.memory_space<semaphore_mem>>)
          %mul3A_322 = arith.constant 5 : i32
          %mul3A_323 = arith.muli %add3A_295, %mul3A_322 : i32
          %add3A_324 = arith.constant 2 : i32
          %add3A_325 = arith.addi %mul3A_323, %add3A_324 : i32
          %dma_start3A_326 = arith.constant 160 : i32
          %dma_start3A_327 = arith.constant 0 : i32
          %dma_start3A_328 = tpu.memref_slice %arg6[%dma_start3A_326, %dma_start3A_327] : memref<1600x8xf32, #tpu.memory_space<vmem>> -> memref<80x8xf32, #tpu.memory_space<vmem>>
          %dma_start3A_329 = arith.constant 0 : i32
          %dma_start3A_330 = tpu.memref_slice %arg5[%add3A_325, %dma_start3A_329] : memref<1280x80xi32, #tpu.memory_space<vmem>> -> memref<1x80xi32, #tpu.memory_space<vmem>>
          %dma_start3A_331 = tpu.memref_squeeze %dma_start3A_330 : memref<1x80xi32, #tpu.memory_space<vmem>> -> memref<80xi32, #tpu.memory_space<vmem>>
          %dma_start3A_332 = arith.constant 0 : i32
          %dma_start3A_333 = arith.constant 0 : i32
          %dma_start3A_334 = tpu.memref_slice %arg3[%dma_start3A_332, %dma_start3A_333] : memref<1000064x8xf32, #tpu.memory_space<hbm>> -> memref<1000064x8xf32, #tpu.memory_space<hbm>>
          tpu.enqueue_indirect_dma source(%dma_start3A_334 : memref<1000064x8xf32, #tpu.memory_space<hbm>>) target(%dma_start3A_328 : memref<80x8xf32, #tpu.memory_space<vmem>>) offsets(%dma_start3A_331 : memref<80xi32, #tpu.memory_space<vmem>>) semaphore(%arg8 : memref<!tpu.dma_semaphore, #tpu.memory_space<semaphore_mem>>)
          %mul3A_335 = arith.constant 5 : i32
          %mul3A_336 = arith.muli %add3A_295, %mul3A_335 : i32
          %add3A_337 = arith.constant 3 : i32
          %add3A_338 = arith.addi %mul3A_336, %add3A_337 : i32
          %dma_start3A_339 = arith.constant 240 : i32
          %dma_start3A_340 = arith.constant 0 : i32
          %dma_start3A_341 = tpu.memref_slice %arg6[%dma_start3A_339, %dma_start3A_340] : memref<1600x8xf32, #tpu.memory_space<vmem>> -> memref<80x8xf32, #tpu.memory_space<vmem>>
          %dma_start3A_342 = arith.constant 0 : i32
          %dma_start3A_343 = tpu.memref_slice %arg5[%add3A_338, %dma_start3A_342] : memref<1280x80xi32, #tpu.memory_space<vmem>> -> memref<1x80xi32, #tpu.memory_space<vmem>>
          %dma_start3A_344 = tpu.memref_squeeze %dma_start3A_343 : memref<1x80xi32, #tpu.memory_space<vmem>> -> memref<80xi32, #tpu.memory_space<vmem>>
          %dma_start3A_345 = arith.constant 0 : i32
          %dma_start3A_346 = arith.constant 0 : i32
          %dma_start3A_347 = tpu.memref_slice %arg3[%dma_start3A_345, %dma_start3A_346] : memref<1000064x8xf32, #tpu.memory_space<hbm>> -> memref<1000064x8xf32, #tpu.memory_space<hbm>>
          tpu.enqueue_indirect_dma source(%dma_start3A_347 : memref<1000064x8xf32, #tpu.memory_space<hbm>>) target(%dma_start3A_341 : memref<80x8xf32, #tpu.memory_space<vmem>>) offsets(%dma_start3A_344 : memref<80xi32, #tpu.memory_space<vmem>>) semaphore(%arg8 : memref<!tpu.dma_semaphore, #tpu.memory_space<semaphore_mem>>)
          %mul3A_348 = arith.constant 5 : i32
          %mul3A_349 = arith.muli %add3A_295, %mul3A_348 : i32
          %add3A_350 = arith.constant 4 : i32
          %add3A_351 = arith.addi %mul3A_349, %add3A_350 : i32
          %dma_start3A_352 = arith.constant 320 : i32
          %dma_start3A_353 = arith.constant 0 : i32
          %dma_start3A_354 = tpu.memref_slice %arg6[%dma_start3A_352, %dma_start3A_353] : memref<1600x8xf32, #tpu.memory_space<vmem>> -> memref<80x8xf32, #tpu.memory_space<vmem>>
          %dma_start3A_355 = arith.constant 0 : i32
          %dma_start3A_356 = tpu.memref_slice %arg5[%add3A_351, %dma_start3A_355] : memref<1280x80xi32, #tpu.memory_space<vmem>> -> memref<1x80xi32, #tpu.memory_space<vmem>>
          %dma_start3A_357 = tpu.memref_squeeze %dma_start3A_356 : memref<1x80xi32, #tpu.memory_space<vmem>> -> memref<80xi32, #tpu.memory_space<vmem>>
          %dma_start3A_358 = arith.constant 0 : i32
          %dma_start3A_359 = arith.constant 0 : i32
          %dma_start3A_360 = tpu.memref_slice %arg3[%dma_start3A_358, %dma_start3A_359] : memref<1000064x8xf32, #tpu.memory_space<hbm>> -> memref<1000064x8xf32, #tpu.memory_space<hbm>>
          tpu.enqueue_indirect_dma source(%dma_start3A_360 : memref<1000064x8xf32, #tpu.memory_space<hbm>>) target(%dma_start3A_354 : memref<80x8xf32, #tpu.memory_space<vmem>>) offsets(%dma_start3A_357 : memref<80xi32, #tpu.memory_space<vmem>>) semaphore(%arg8 : memref<!tpu.dma_semaphore, #tpu.memory_space<semaphore_mem>>)
        } else {
        }
        %eq3A_279 = arith.constant 1 : i32
        %eq3A_280 = arith.cmpi eq, %and3A_221, %eq3A_279 : i32
        %convert_element_type3A_281 = arith.extui %eq3A_280 : i1 to i32
        %cond3A_282 = arith.constant 0 : i32
        %cond3A_283 = arith.cmpi ne, %convert_element_type3A_281, %cond3A_282 : i32
        scf.if %cond3A_283 {
          %add3A_294 = arith.constant 4 : i32
          %add3A_295 = arith.addi %scan3A_218, %add3A_294 : i32
          %mul3A_296 = arith.constant 5 : i32
          %mul3A_297 = arith.muli %add3A_295, %mul3A_296 : i32
          %add3A_298 = arith.constant 0 : i32
          %add3A_299 = arith.addi %mul3A_297, %add3A_298 : i32
          %dma_start3A_300 = arith.constant 400 : i32
          %dma_start3A_301 = arith.constant 0 : i32
          %dma_start3A_302 = tpu.memref_slice %arg6[%dma_start3A_300, %dma_start3A_301] : memref<1600x8xf32, #tpu.memory_space<vmem>> -> memref<80x8xf32, #tpu.memory_space<vmem>>
          %dma_start3A_303 = arith.constant 0 : i32
          %dma_start3A_304 = tpu.memref_slice %arg5[%add3A_299, %dma_start3A_303] : memref<1280x80xi32, #tpu.memory_space<vmem>> -> memref<1x80xi32, #tpu.memory_space<vmem>>
          %dma_start3A_305 = tpu.memref_squeeze %dma_start3A_304 : memref<1x80xi32, #tpu.memory_space<vmem>> -> memref<80xi32, #tpu.memory_space<vmem>>
          %dma_start3A_306 = arith.constant 0 : i32
          %dma_start3A_307 = arith.constant 0 : i32
          %dma_start3A_308 = tpu.memref_slice %arg3[%dma_start3A_306, %dma_start3A_307] : memref<1000064x8xf32, #tpu.memory_space<hbm>> -> memref<1000064x8xf32, #tpu.memory_space<hbm>>
          tpu.enqueue_indirect_dma source(%dma_start3A_308 : memref<1000064x8xf32, #tpu.memory_space<hbm>>) target(%dma_start3A_302 : memref<80x8xf32, #tpu.memory_space<vmem>>) offsets(%dma_start3A_305 : memref<80xi32, #tpu.memory_space<vmem>>) semaphore(%arg9 : memref<!tpu.dma_semaphore, #tpu.memory_space<semaphore_mem>>)
          %mul3A_309 = arith.constant 5 : i32
          %mul3A_310 = arith.muli %add3A_295, %mul3A_309 : i32
          %add3A_311 = arith.constant 1 : i32
          %add3A_312 = arith.addi %mul3A_310, %add3A_311 : i32
          %dma_start3A_313 = arith.constant 480 : i32
          %dma_start3A_314 = arith.constant 0 : i32
          %dma_start3A_315 = tpu.memref_slice %arg6[%dma_start3A_313, %dma_start3A_314] : memref<1600x8xf32, #tpu.memory_space<vmem>> -> memref<80x8xf32, #tpu.memory_space<vmem>>
          %dma_start3A_316 = arith.constant 0 : i32
          %dma_start3A_317 = tpu.memref_slice %arg5[%add3A_312, %dma_start3A_316] : memref<1280x80xi32, #tpu.memory_space<vmem>> -> memref<1x80xi32, #tpu.memory_space<vmem>>
          %dma_start3A_318 = tpu.memref_squeeze %dma_start3A_317 : memref<1x80xi32, #tpu.memory_space<vmem>> -> memref<80xi32, #tpu.memory_space<vmem>>
          %dma_start3A_319 = arith.constant 0 : i32
          %dma_start3A_320 = arith.constant 0 : i32
          %dma_start3A_321 = tpu.memref_slice %arg3[%dma_start3A_319, %dma_start3A_320] : memref<1000064x8xf32, #tpu.memory_space<hbm>> -> memref<1000064x8xf32, #tpu.memory_space<hbm>>
          tpu.enqueue_indirect_dma source(%dma_start3A_321 : memref<1000064x8xf32, #tpu.memory_space<hbm>>) target(%dma_start3A_315 : memref<80x8xf32, #tpu.memory_space<vmem>>) offsets(%dma_start3A_318 : memref<80xi32, #tpu.memory_space<vmem>>) semaphore(%arg9 : memref<!tpu.dma_semaphore, #tpu.memory_space<semaphore_mem>>)
          %mul3A_322 = arith.constant 5 : i32
          %mul3A_323 = arith.muli %add3A_295, %mul3A_322 : i32
          %add3A_324 = arith.constant 2 : i32
          %add3A_325 = arith.addi %mul3A_323, %add3A_324 : i32
          %dma_start3A_326 = arith.constant 560 : i32
          %dma_start3A_327 = arith.constant 0 : i32
          %dma_start3A_328 = tpu.memref_slice %arg6[%dma_start3A_326, %dma_start3A_327] : memref<1600x8xf32, #tpu.memory_space<vmem>> -> memref<80x8xf32, #tpu.memory_space<vmem>>
          %dma_start3A_329 = arith.constant 0 : i32
          %dma_start3A_330 = tpu.memref_slice %arg5[%add3A_325, %dma_start3A_329] : memref<1280x80xi32, #tpu.memory_space<vmem>> -> memref<1x80xi32, #tpu.memory_space<vmem>>
          %dma_start3A_331 = tpu.memref_squeeze %dma_start3A_330 : memref<1x80xi32, #tpu.memory_space<vmem>> -> memref<80xi32, #tpu.memory_space<vmem>>
          %dma_start3A_332 = arith.constant 0 : i32
          %dma_start3A_333 = arith.constant 0 : i32
          %dma_start3A_334 = tpu.memref_slice %arg3[%dma_start3A_332, %dma_start3A_333] : memref<1000064x8xf32, #tpu.memory_space<hbm>> -> memref<1000064x8xf32, #tpu.memory_space<hbm>>
          tpu.enqueue_indirect_dma source(%dma_start3A_334 : memref<1000064x8xf32, #tpu.memory_space<hbm>>) target(%dma_start3A_328 : memref<80x8xf32, #tpu.memory_space<vmem>>) offsets(%dma_start3A_331 : memref<80xi32, #tpu.memory_space<vmem>>) semaphore(%arg9 : memref<!tpu.dma_semaphore, #tpu.memory_space<semaphore_mem>>)
          %mul3A_335 = arith.constant 5 : i32
          %mul3A_336 = arith.muli %add3A_295, %mul3A_335 : i32
          %add3A_337 = arith.constant 3 : i32
          %add3A_338 = arith.addi %mul3A_336, %add3A_337 : i32
          %dma_start3A_339 = arith.constant 640 : i32
          %dma_start3A_340 = arith.constant 0 : i32
          %dma_start3A_341 = tpu.memref_slice %arg6[%dma_start3A_339, %dma_start3A_340] : memref<1600x8xf32, #tpu.memory_space<vmem>> -> memref<80x8xf32, #tpu.memory_space<vmem>>
          %dma_start3A_342 = arith.constant 0 : i32
          %dma_start3A_343 = tpu.memref_slice %arg5[%add3A_338, %dma_start3A_342] : memref<1280x80xi32, #tpu.memory_space<vmem>> -> memref<1x80xi32, #tpu.memory_space<vmem>>
          %dma_start3A_344 = tpu.memref_squeeze %dma_start3A_343 : memref<1x80xi32, #tpu.memory_space<vmem>> -> memref<80xi32, #tpu.memory_space<vmem>>
          %dma_start3A_345 = arith.constant 0 : i32
          %dma_start3A_346 = arith.constant 0 : i32
          %dma_start3A_347 = tpu.memref_slice %arg3[%dma_start3A_345, %dma_start3A_346] : memref<1000064x8xf32, #tpu.memory_space<hbm>> -> memref<1000064x8xf32, #tpu.memory_space<hbm>>
          tpu.enqueue_indirect_dma source(%dma_start3A_347 : memref<1000064x8xf32, #tpu.memory_space<hbm>>) target(%dma_start3A_341 : memref<80x8xf32, #tpu.memory_space<vmem>>) offsets(%dma_start3A_344 : memref<80xi32, #tpu.memory_space<vmem>>) semaphore(%arg9 : memref<!tpu.dma_semaphore, #tpu.memory_space<semaphore_mem>>)
          %mul3A_348 = arith.constant 5 : i32
          %mul3A_349 = arith.muli %add3A_295, %mul3A_348 : i32
          %add3A_350 = arith.constant 4 : i32
          %add3A_351 = arith.addi %mul3A_349, %add3A_350 : i32
          %dma_start3A_352 = arith.constant 720 : i32
          %dma_start3A_353 = arith.constant 0 : i32
          %dma_start3A_354 = tpu.memref_slice %arg6[%dma_start3A_352, %dma_start3A_353] : memref<1600x8xf32, #tpu.memory_space<vmem>> -> memref<80x8xf32, #tpu.memory_space<vmem>>
          %dma_start3A_355 = arith.constant 0 : i32
          %dma_start3A_356 = tpu.memref_slice %arg5[%add3A_351, %dma_start3A_355] : memref<1280x80xi32, #tpu.memory_space<vmem>> -> memref<1x80xi32, #tpu.memory_space<vmem>>
          %dma_start3A_357 = tpu.memref_squeeze %dma_start3A_356 : memref<1x80xi32, #tpu.memory_space<vmem>> -> memref<80xi32, #tpu.memory_space<vmem>>
          %dma_start3A_358 = arith.constant 0 : i32
          %dma_start3A_359 = arith.constant 0 : i32
          %dma_start3A_360 = tpu.memref_slice %arg3[%dma_start3A_358, %dma_start3A_359] : memref<1000064x8xf32, #tpu.memory_space<hbm>> -> memref<1000064x8xf32, #tpu.memory_space<hbm>>
          tpu.enqueue_indirect_dma source(%dma_start3A_360 : memref<1000064x8xf32, #tpu.memory_space<hbm>>) target(%dma_start3A_354 : memref<80x8xf32, #tpu.memory_space<vmem>>) offsets(%dma_start3A_357 : memref<80xi32, #tpu.memory_space<vmem>>) semaphore(%arg9 : memref<!tpu.dma_semaphore, #tpu.memory_space<semaphore_mem>>)
        } else {
        }
        %eq3A_284 = arith.constant 2 : i32
        %eq3A_285 = arith.cmpi eq, %and3A_221, %eq3A_284 : i32
        %convert_element_type3A_286 = arith.extui %eq3A_285 : i1 to i32
        %cond3A_287 = arith.constant 0 : i32
        %cond3A_288 = arith.cmpi ne, %convert_element_type3A_286, %cond3A_287 : i32
        scf.if %cond3A_288 {
          %add3A_294 = arith.constant 4 : i32
          %add3A_295 = arith.addi %scan3A_218, %add3A_294 : i32
          %mul3A_296 = arith.constant 5 : i32
          %mul3A_297 = arith.muli %add3A_295, %mul3A_296 : i32
          %add3A_298 = arith.constant 0 : i32
          %add3A_299 = arith.addi %mul3A_297, %add3A_298 : i32
          %dma_start3A_300 = arith.constant 800 : i32
          %dma_start3A_301 = arith.constant 0 : i32
          %dma_start3A_302 = tpu.memref_slice %arg6[%dma_start3A_300, %dma_start3A_301] : memref<1600x8xf32, #tpu.memory_space<vmem>> -> memref<80x8xf32, #tpu.memory_space<vmem>>
          %dma_start3A_303 = arith.constant 0 : i32
          %dma_start3A_304 = tpu.memref_slice %arg5[%add3A_299, %dma_start3A_303] : memref<1280x80xi32, #tpu.memory_space<vmem>> -> memref<1x80xi32, #tpu.memory_space<vmem>>
          %dma_start3A_305 = tpu.memref_squeeze %dma_start3A_304 : memref<1x80xi32, #tpu.memory_space<vmem>> -> memref<80xi32, #tpu.memory_space<vmem>>
          %dma_start3A_306 = arith.constant 0 : i32
          %dma_start3A_307 = arith.constant 0 : i32
          %dma_start3A_308 = tpu.memref_slice %arg3[%dma_start3A_306, %dma_start3A_307] : memref<1000064x8xf32, #tpu.memory_space<hbm>> -> memref<1000064x8xf32, #tpu.memory_space<hbm>>
          tpu.enqueue_indirect_dma source(%dma_start3A_308 : memref<1000064x8xf32, #tpu.memory_space<hbm>>) target(%dma_start3A_302 : memref<80x8xf32, #tpu.memory_space<vmem>>) offsets(%dma_start3A_305 : memref<80xi32, #tpu.memory_space<vmem>>) semaphore(%arg10 : memref<!tpu.dma_semaphore, #tpu.memory_space<semaphore_mem>>)
          %mul3A_309 = arith.constant 5 : i32
          %mul3A_310 = arith.muli %add3A_295, %mul3A_309 : i32
          %add3A_311 = arith.constant 1 : i32
          %add3A_312 = arith.addi %mul3A_310, %add3A_311 : i32
          %dma_start3A_313 = arith.constant 880 : i32
          %dma_start3A_314 = arith.constant 0 : i32
          %dma_start3A_315 = tpu.memref_slice %arg6[%dma_start3A_313, %dma_start3A_314] : memref<1600x8xf32, #tpu.memory_space<vmem>> -> memref<80x8xf32, #tpu.memory_space<vmem>>
          %dma_start3A_316 = arith.constant 0 : i32
          %dma_start3A_317 = tpu.memref_slice %arg5[%add3A_312, %dma_start3A_316] : memref<1280x80xi32, #tpu.memory_space<vmem>> -> memref<1x80xi32, #tpu.memory_space<vmem>>
          %dma_start3A_318 = tpu.memref_squeeze %dma_start3A_317 : memref<1x80xi32, #tpu.memory_space<vmem>> -> memref<80xi32, #tpu.memory_space<vmem>>
          %dma_start3A_319 = arith.constant 0 : i32
          %dma_start3A_320 = arith.constant 0 : i32
          %dma_start3A_321 = tpu.memref_slice %arg3[%dma_start3A_319, %dma_start3A_320] : memref<1000064x8xf32, #tpu.memory_space<hbm>> -> memref<1000064x8xf32, #tpu.memory_space<hbm>>
          tpu.enqueue_indirect_dma source(%dma_start3A_321 : memref<1000064x8xf32, #tpu.memory_space<hbm>>) target(%dma_start3A_315 : memref<80x8xf32, #tpu.memory_space<vmem>>) offsets(%dma_start3A_318 : memref<80xi32, #tpu.memory_space<vmem>>) semaphore(%arg10 : memref<!tpu.dma_semaphore, #tpu.memory_space<semaphore_mem>>)
          %mul3A_322 = arith.constant 5 : i32
          %mul3A_323 = arith.muli %add3A_295, %mul3A_322 : i32
          %add3A_324 = arith.constant 2 : i32
          %add3A_325 = arith.addi %mul3A_323, %add3A_324 : i32
          %dma_start3A_326 = arith.constant 960 : i32
          %dma_start3A_327 = arith.constant 0 : i32
          %dma_start3A_328 = tpu.memref_slice %arg6[%dma_start3A_326, %dma_start3A_327] : memref<1600x8xf32, #tpu.memory_space<vmem>> -> memref<80x8xf32, #tpu.memory_space<vmem>>
          %dma_start3A_329 = arith.constant 0 : i32
          %dma_start3A_330 = tpu.memref_slice %arg5[%add3A_325, %dma_start3A_329] : memref<1280x80xi32, #tpu.memory_space<vmem>> -> memref<1x80xi32, #tpu.memory_space<vmem>>
          %dma_start3A_331 = tpu.memref_squeeze %dma_start3A_330 : memref<1x80xi32, #tpu.memory_space<vmem>> -> memref<80xi32, #tpu.memory_space<vmem>>
          %dma_start3A_332 = arith.constant 0 : i32
          %dma_start3A_333 = arith.constant 0 : i32
          %dma_start3A_334 = tpu.memref_slice %arg3[%dma_start3A_332, %dma_start3A_333] : memref<1000064x8xf32, #tpu.memory_space<hbm>> -> memref<1000064x8xf32, #tpu.memory_space<hbm>>
          tpu.enqueue_indirect_dma source(%dma_start3A_334 : memref<1000064x8xf32, #tpu.memory_space<hbm>>) target(%dma_start3A_328 : memref<80x8xf32, #tpu.memory_space<vmem>>) offsets(%dma_start3A_331 : memref<80xi32, #tpu.memory_space<vmem>>) semaphore(%arg10 : memref<!tpu.dma_semaphore, #tpu.memory_space<semaphore_mem>>)
          %mul3A_335 = arith.constant 5 : i32
          %mul3A_336 = arith.muli %add3A_295, %mul3A_335 : i32
          %add3A_337 = arith.constant 3 : i32
          %add3A_338 = arith.addi %mul3A_336, %add3A_337 : i32
          %dma_start3A_339 = arith.constant 1040 : i32
          %dma_start3A_340 = arith.constant 0 : i32
          %dma_start3A_341 = tpu.memref_slice %arg6[%dma_start3A_339, %dma_start3A_340] : memref<1600x8xf32, #tpu.memory_space<vmem>> -> memref<80x8xf32, #tpu.memory_space<vmem>>
          %dma_start3A_342 = arith.constant 0 : i32
          %dma_start3A_343 = tpu.memref_slice %arg5[%add3A_338, %dma_start3A_342] : memref<1280x80xi32, #tpu.memory_space<vmem>> -> memref<1x80xi32, #tpu.memory_space<vmem>>
          %dma_start3A_344 = tpu.memref_squeeze %dma_start3A_343 : memref<1x80xi32, #tpu.memory_space<vmem>> -> memref<80xi32, #tpu.memory_space<vmem>>
          %dma_start3A_345 = arith.constant 0 : i32
          %dma_start3A_346 = arith.constant 0 : i32
          %dma_start3A_347 = tpu.memref_slice %arg3[%dma_start3A_345, %dma_start3A_346] : memref<1000064x8xf32, #tpu.memory_space<hbm>> -> memref<1000064x8xf32, #tpu.memory_space<hbm>>
          tpu.enqueue_indirect_dma source(%dma_start3A_347 : memref<1000064x8xf32, #tpu.memory_space<hbm>>) target(%dma_start3A_341 : memref<80x8xf32, #tpu.memory_space<vmem>>) offsets(%dma_start3A_344 : memref<80xi32, #tpu.memory_space<vmem>>) semaphore(%arg10 : memref<!tpu.dma_semaphore, #tpu.memory_space<semaphore_mem>>)
          %mul3A_348 = arith.constant 5 : i32
          %mul3A_349 = arith.muli %add3A_295, %mul3A_348 : i32
          %add3A_350 = arith.constant 4 : i32
          %add3A_351 = arith.addi %mul3A_349, %add3A_350 : i32
          %dma_start3A_352 = arith.constant 1120 : i32
          %dma_start3A_353 = arith.constant 0 : i32
          %dma_start3A_354 = tpu.memref_slice %arg6[%dma_start3A_352, %dma_start3A_353] : memref<1600x8xf32, #tpu.memory_space<vmem>> -> memref<80x8xf32, #tpu.memory_space<vmem>>
          %dma_start3A_355 = arith.constant 0 : i32
          %dma_start3A_356 = tpu.memref_slice %arg5[%add3A_351, %dma_start3A_355] : memref<1280x80xi32, #tpu.memory_space<vmem>> -> memref<1x80xi32, #tpu.memory_space<vmem>>
          %dma_start3A_357 = tpu.memref_squeeze %dma_start3A_356 : memref<1x80xi32, #tpu.memory_space<vmem>> -> memref<80xi32, #tpu.memory_space<vmem>>
          %dma_start3A_358 = arith.constant 0 : i32
          %dma_start3A_359 = arith.constant 0 : i32
          %dma_start3A_360 = tpu.memref_slice %arg3[%dma_start3A_358, %dma_start3A_359] : memref<1000064x8xf32, #tpu.memory_space<hbm>> -> memref<1000064x8xf32, #tpu.memory_space<hbm>>
          tpu.enqueue_indirect_dma source(%dma_start3A_360 : memref<1000064x8xf32, #tpu.memory_space<hbm>>) target(%dma_start3A_354 : memref<80x8xf32, #tpu.memory_space<vmem>>) offsets(%dma_start3A_357 : memref<80xi32, #tpu.memory_space<vmem>>) semaphore(%arg10 : memref<!tpu.dma_semaphore, #tpu.memory_space<semaphore_mem>>)
        } else {
        }
        %eq3A_289 = arith.constant 3 : i32
        %eq3A_290 = arith.cmpi eq, %and3A_221, %eq3A_289 : i32
        %convert_element_type3A_291 = arith.extui %eq3A_290 : i1 to i32
        %cond3A_292 = arith.constant 0 : i32
        %cond3A_293 = arith.cmpi ne, %convert_element_type3A_291, %cond3A_292 : i32
        scf.if %cond3A_293 {
          %add3A_294 = arith.constant 4 : i32
          %add3A_295 = arith.addi %scan3A_218, %add3A_294 : i32
          %mul3A_296 = arith.constant 5 : i32
          %mul3A_297 = arith.muli %add3A_295, %mul3A_296 : i32
          %add3A_298 = arith.constant 0 : i32
          %add3A_299 = arith.addi %mul3A_297, %add3A_298 : i32
          %dma_start3A_300 = arith.constant 1200 : i32
          %dma_start3A_301 = arith.constant 0 : i32
          %dma_start3A_302 = tpu.memref_slice %arg6[%dma_start3A_300, %dma_start3A_301] : memref<1600x8xf32, #tpu.memory_space<vmem>> -> memref<80x8xf32, #tpu.memory_space<vmem>>
          %dma_start3A_303 = arith.constant 0 : i32
          %dma_start3A_304 = tpu.memref_slice %arg5[%add3A_299, %dma_start3A_303] : memref<1280x80xi32, #tpu.memory_space<vmem>> -> memref<1x80xi32, #tpu.memory_space<vmem>>
          %dma_start3A_305 = tpu.memref_squeeze %dma_start3A_304 : memref<1x80xi32, #tpu.memory_space<vmem>> -> memref<80xi32, #tpu.memory_space<vmem>>
          %dma_start3A_306 = arith.constant 0 : i32
          %dma_start3A_307 = arith.constant 0 : i32
          %dma_start3A_308 = tpu.memref_slice %arg3[%dma_start3A_306, %dma_start3A_307] : memref<1000064x8xf32, #tpu.memory_space<hbm>> -> memref<1000064x8xf32, #tpu.memory_space<hbm>>
          tpu.enqueue_indirect_dma source(%dma_start3A_308 : memref<1000064x8xf32, #tpu.memory_space<hbm>>) target(%dma_start3A_302 : memref<80x8xf32, #tpu.memory_space<vmem>>) offsets(%dma_start3A_305 : memref<80xi32, #tpu.memory_space<vmem>>) semaphore(%arg11 : memref<!tpu.dma_semaphore, #tpu.memory_space<semaphore_mem>>)
          %mul3A_309 = arith.constant 5 : i32
          %mul3A_310 = arith.muli %add3A_295, %mul3A_309 : i32
          %add3A_311 = arith.constant 1 : i32
          %add3A_312 = arith.addi %mul3A_310, %add3A_311 : i32
          %dma_start3A_313 = arith.constant 1280 : i32
          %dma_start3A_314 = arith.constant 0 : i32
          %dma_start3A_315 = tpu.memref_slice %arg6[%dma_start3A_313, %dma_start3A_314] : memref<1600x8xf32, #tpu.memory_space<vmem>> -> memref<80x8xf32, #tpu.memory_space<vmem>>
          %dma_start3A_316 = arith.constant 0 : i32
          %dma_start3A_317 = tpu.memref_slice %arg5[%add3A_312, %dma_start3A_316] : memref<1280x80xi32, #tpu.memory_space<vmem>> -> memref<1x80xi32, #tpu.memory_space<vmem>>
          %dma_start3A_318 = tpu.memref_squeeze %dma_start3A_317 : memref<1x80xi32, #tpu.memory_space<vmem>> -> memref<80xi32, #tpu.memory_space<vmem>>
          %dma_start3A_319 = arith.constant 0 : i32
          %dma_start3A_320 = arith.constant 0 : i32
          %dma_start3A_321 = tpu.memref_slice %arg3[%dma_start3A_319, %dma_start3A_320] : memref<1000064x8xf32, #tpu.memory_space<hbm>> -> memref<1000064x8xf32, #tpu.memory_space<hbm>>
          tpu.enqueue_indirect_dma source(%dma_start3A_321 : memref<1000064x8xf32, #tpu.memory_space<hbm>>) target(%dma_start3A_315 : memref<80x8xf32, #tpu.memory_space<vmem>>) offsets(%dma_start3A_318 : memref<80xi32, #tpu.memory_space<vmem>>) semaphore(%arg11 : memref<!tpu.dma_semaphore, #tpu.memory_space<semaphore_mem>>)
          %mul3A_322 = arith.constant 5 : i32
          %mul3A_323 = arith.muli %add3A_295, %mul3A_322 : i32
          %add3A_324 = arith.constant 2 : i32
          %add3A_325 = arith.addi %mul3A_323, %add3A_324 : i32
          %dma_start3A_326 = arith.constant 1360 : i32
          %dma_start3A_327 = arith.constant 0 : i32
          %dma_start3A_328 = tpu.memref_slice %arg6[%dma_start3A_326, %dma_start3A_327] : memref<1600x8xf32, #tpu.memory_space<vmem>> -> memref<80x8xf32, #tpu.memory_space<vmem>>
          %dma_start3A_329 = arith.constant 0 : i32
          %dma_start3A_330 = tpu.memref_slice %arg5[%add3A_325, %dma_start3A_329] : memref<1280x80xi32, #tpu.memory_space<vmem>> -> memref<1x80xi32, #tpu.memory_space<vmem>>
          %dma_start3A_331 = tpu.memref_squeeze %dma_start3A_330 : memref<1x80xi32, #tpu.memory_space<vmem>> -> memref<80xi32, #tpu.memory_space<vmem>>
          %dma_start3A_332 = arith.constant 0 : i32
          %dma_start3A_333 = arith.constant 0 : i32
          %dma_start3A_334 = tpu.memref_slice %arg3[%dma_start3A_332, %dma_start3A_333] : memref<1000064x8xf32, #tpu.memory_space<hbm>> -> memref<1000064x8xf32, #tpu.memory_space<hbm>>
          tpu.enqueue_indirect_dma source(%dma_start3A_334 : memref<1000064x8xf32, #tpu.memory_space<hbm>>) target(%dma_start3A_328 : memref<80x8xf32, #tpu.memory_space<vmem>>) offsets(%dma_start3A_331 : memref<80xi32, #tpu.memory_space<vmem>>) semaphore(%arg11 : memref<!tpu.dma_semaphore, #tpu.memory_space<semaphore_mem>>)
          %mul3A_335 = arith.constant 5 : i32
          %mul3A_336 = arith.muli %add3A_295, %mul3A_335 : i32
          %add3A_337 = arith.constant 3 : i32
          %add3A_338 = arith.addi %mul3A_336, %add3A_337 : i32
          %dma_start3A_339 = arith.constant 1440 : i32
          %dma_start3A_340 = arith.constant 0 : i32
          %dma_start3A_341 = tpu.memref_slice %arg6[%dma_start3A_339, %dma_start3A_340] : memref<1600x8xf32, #tpu.memory_space<vmem>> -> memref<80x8xf32, #tpu.memory_space<vmem>>
          %dma_start3A_342 = arith.constant 0 : i32
          %dma_start3A_343 = tpu.memref_slice %arg5[%add3A_338, %dma_start3A_342] : memref<1280x80xi32, #tpu.memory_space<vmem>> -> memref<1x80xi32, #tpu.memory_space<vmem>>
          %dma_start3A_344 = tpu.memref_squeeze %dma_start3A_343 : memref<1x80xi32, #tpu.memory_space<vmem>> -> memref<80xi32, #tpu.memory_space<vmem>>
          %dma_start3A_345 = arith.constant 0 : i32
          %dma_start3A_346 = arith.constant 0 : i32
          %dma_start3A_347 = tpu.memref_slice %arg3[%dma_start3A_345, %dma_start3A_346] : memref<1000064x8xf32, #tpu.memory_space<hbm>> -> memref<1000064x8xf32, #tpu.memory_space<hbm>>
          tpu.enqueue_indirect_dma source(%dma_start3A_347 : memref<1000064x8xf32, #tpu.memory_space<hbm>>) target(%dma_start3A_341 : memref<80x8xf32, #tpu.memory_space<vmem>>) offsets(%dma_start3A_344 : memref<80xi32, #tpu.memory_space<vmem>>) semaphore(%arg11 : memref<!tpu.dma_semaphore, #tpu.memory_space<semaphore_mem>>)
          %mul3A_348 = arith.constant 5 : i32
          %mul3A_349 = arith.muli %add3A_295, %mul3A_348 : i32
          %add3A_350 = arith.constant 4 : i32
          %add3A_351 = arith.addi %mul3A_349, %add3A_350 : i32
          %dma_start3A_352 = arith.constant 1520 : i32
          %dma_start3A_353 = arith.constant 0 : i32
          %dma_start3A_354 = tpu.memref_slice %arg6[%dma_start3A_352, %dma_start3A_353] : memref<1600x8xf32, #tpu.memory_space<vmem>> -> memref<80x8xf32, #tpu.memory_space<vmem>>
          %dma_start3A_355 = arith.constant 0 : i32
          %dma_start3A_356 = tpu.memref_slice %arg5[%add3A_351, %dma_start3A_355] : memref<1280x80xi32, #tpu.memory_space<vmem>> -> memref<1x80xi32, #tpu.memory_space<vmem>>
          %dma_start3A_357 = tpu.memref_squeeze %dma_start3A_356 : memref<1x80xi32, #tpu.memory_space<vmem>> -> memref<80xi32, #tpu.memory_space<vmem>>
          %dma_start3A_358 = arith.constant 0 : i32
          %dma_start3A_359 = arith.constant 0 : i32
          %dma_start3A_360 = tpu.memref_slice %arg3[%dma_start3A_358, %dma_start3A_359] : memref<1000064x8xf32, #tpu.memory_space<hbm>> -> memref<1000064x8xf32, #tpu.memory_space<hbm>>
          tpu.enqueue_indirect_dma source(%dma_start3A_360 : memref<1000064x8xf32, #tpu.memory_space<hbm>>) target(%dma_start3A_354 : memref<80x8xf32, #tpu.memory_space<vmem>>) offsets(%dma_start3A_357 : memref<80xi32, #tpu.memory_space<vmem>>) semaphore(%arg11 : memref<!tpu.dma_semaphore, #tpu.memory_space<semaphore_mem>>)
        } else {
        }
      } else {
      }
      %mul3A_267 = arith.constant 5.000000e-03 : f32
      %mul3A_268 = vector.broadcast %mul3A_267 : f32 to vector<16xf32>
      %mul3A_269 = arith.mulf %add3A_262, %mul3A_268 : vector<16xf32>
      %mul3A_270 = arith.constant 16 : i32
      %mul3A_271 = arith.muli %scan3A_218, %mul3A_270 : i32
      %swap3A = arith.index_cast %mul3A_271 : i32 to index
      %swap3A_272 = tpu.vector_load %arg7[%swap3A] {strides = array<i32>} : memref<4096xf32, #tpu.memory_space<vmem>>, vector<16xf32>,
      tpu.vector_store %arg7[%swap3A], %mul3A_269 {strides = array<i32>} : memref<4096xf32, #tpu.memory_space<vmem>>, vector<16xf32>,
      %scan3A_273 = arith.constant 0 : i32
      scf.yield %scan3A_273 : i32
    }
    %scan3A_217 = arith.constant 256 : i32
    "tpu.region"() ({
      %run_scoped3A = tpu.sem_alloc : memref<!tpu.dma_semaphore, #tpu.memory_space<semaphore_mem>>
      %dma_start3A_218 = tpu.memref_slice %arg4[%mul3A_2] : memref<131072xf32, #tpu.memory_space<hbm>> -> memref<4096xf32, #tpu.memory_space<hbm>>
      %dma_start3A_219 = tpu.memref_slice %arg4[%mul3A_2] : memref<131072xf32, #tpu.memory_space<hbm>> -> memref<4096xf32, #tpu.memory_space<hbm>>
      tpu.enqueue_dma source(%arg7 : memref<4096xf32, #tpu.memory_space<vmem>>) target(%dma_start3A_219 : memref<4096xf32, #tpu.memory_space<hbm>>) target_semaphore(%run_scoped3A : memref<!tpu.dma_semaphore, #tpu.memory_space<semaphore_mem>>)
      %dma_wait3A = tpu.memref_slice %arg4[%mul3A_2] : memref<131072xf32, #tpu.memory_space<hbm>> -> memref<4096xf32, #tpu.memory_space<hbm>>
      %dma_wait3A_220 = tpu.memref_slice %arg4[%mul3A_2] : memref<131072xf32, #tpu.memory_space<hbm>> -> memref<4096xf32, #tpu.memory_space<hbm>>
      tpu.wait_dma2 semaphore(%run_scoped3A : memref<!tpu.dma_semaphore, #tpu.memory_space<semaphore_mem>>) src(%arg7 : memref<4096xf32, #tpu.memory_space<vmem>>) dst(%dma_wait3A_220 : memref<4096xf32, #tpu.memory_space<hbm>>)
      tpu.yield
    }) : () -> ()
    return
  }
}

</mosaic_0001>

<sc_bundles>
// kernel: kernel.3.cloned.1.call-start
scs
__scs_entry_jumppad:
0x0: {  	(pc) =	sbr.rel $0x88, $3  }
0x1: {  	(tag) =	ssettag $0x0;
	lr =	simm.s32 $0x1  }
0x2: {  	[smem:$0x3F9F] =	sst lr;
	_ =	strace $0xD0000000  }
0x3: {  	_ = 	snop  }
0x4: {  	_ = 	snop  }
0x5: {  	_ = 	snop  }
0x6: {  	_ = 	snop  }
0x7: {  	_ = 	snop  }
__scs_overlays_trampoline_lowered:
0x8: {  	[smem:$0x3FAE] =	sst s0  }
0x9: {  	[smem:$0x3FAF] =	sst s1  }
0xa: {  	[smem:$0x3FB0] =	sst s2  }
0xb: {  	[smem:$0x3FB1] =	sst s3  }
0xc: {  	[smem:$0x3FB2] =	sst s4  }
0xd: {  	[smem:$0x3FB3] =	sst s5  }
0xe: {  	[smem:$0x3FB4] =	sst s6  }
0xf: {  	[smem:$0x3FB5] =	sst s7  }
0x10: {  	[smem:$0x3FB6] =	sst s8  }
0x11: {  	[smem:$0x3FB7] =	sst s9;
	s0 =	simm.s32 @!p0 $0x0  }
0x12: {  	s1 =	sld [smem:$0x3F9D];
	s0 =	simm.s32 @p0 $0x1  }
0x13: {  	[smem:$0x3FB8] =	sst s0;
	s0 =	simm.s32 @!p1 $0x0  }
0x14: {  	s2 =	sld [smem:$0x3F9C];
	s0 =	simm.s32 @p1 $0x1  }
0x15: {  	[smem:$0x3FB9] =	sst s0;
	s0 =	simm.s32 @!p2 $0x0  }
0x16: {  	s3 =	sld [smem:$0x3FDB];
	s0 =	simm.s32 @p2 $0x1  }
0x17: {  	s4 =	simm.s32 $0x1BF5;
	[smem:$0x3FBB] =	sst s0  }
0x18: {  	s0 =	sld [smem:$0x3F9E];
	_ =	swait.ge [sflag:s4], $0x0  }
0x19: {  	s7 =	sld [smem:$0x3F9F]  }
0x1a: {  	s8 =	sadd.s32 $0xFFFFE003, lr  }
0x1b: {  	s9 =	sadd.s32 $0xFFFFFEF7, lr;
	s5 =	simm.s32 $0xFFFFFFFF;
	p2 =	slt.u32 s8, $0xFFFFF086  }
0x1c: {  	p1 =	slt.u32 s9, $0xF7A;
	s5 =	simm.s32 @!p2 $0x0  }
0x1d: {  	s5 =	simm.s32 @p1 $0x1;
	p0 =	seq.s32 s7, s2  }
0x1e: {  	s7 =	smul.u32 @!p0 $0xF7A, s2;
	p2 =	seq.s32 @!p0 s5, $0x0  }
0x1f: {  	s9 =	smul.u32 $0xF7A, s1;
	s8 =	simm.s32 @!p0 $0x1BF5;
	p2 =	por !p2, p0  }
0x20: {  	[sflag:s8] =	ssyncset.s32 @!p0 $0xFFFFF086;
	s6 =	sadd.s32 @!p0 s3, s7;
	s7 =	simm.s32 @!p0 $0x108  }
0x21: {  	s3 =	sadd.s32 s3, s9;
	s6 =	sadd.s32 @!p0 $0x88, s6;
	s7 =	simm.s32 @p2 $0x1082  }
0x22: {  	[simem:s7], [sflag:s8] =	dma.local @!p0 [hbm:s6], $0xF7A  }
0x23: {  	s9 =	sor.u32 $0xD0000000, s2;
	s6 =	simm.s32 $0x108;
	_ =	swait.ge @!p0 [sflag:s8], $0x0  }
0x24: {  	s3 =	sadd.s32 $0x88, s3;
	s6 =	simm.s32 @!p1 $0x1082;
	[sflag:s4] =	ssyncset.s32 $0xFFFFF086  }
0x25: {  	[simem:s6], [sflag:s4] =	dma.local [hbm:s3], $0xF7A  }
0x26: {  	[smem:$0x3F9F] =	sst s1;
	(tag) =	ssettag s2;
	_ =	strace s9  }
0x27: {  	s1 =	sld [smem:$0x3FAF]  }
0x28: {  	s2 =	sld [smem:$0x3FB0]  }
0x29: {  	s4 =	sld [smem:$0x3FB2]  }
0x2a: {  	p0 =	seq.s32 s5, $0x0;
	s5 =	sld [smem:$0x3FB3]  }
0x2b: {  	s6 =	sld [smem:$0x3FB4]  }
0x2c: {  	s7 =	sld [smem:$0x3FB5]  }
0x2d: {  	s3 =	simm.s32 $0x108;
	s8 =	sld [smem:$0x3FB6]  }
0x2e: {  	s3 =	simm.s32 @!p0 $0x1082;
	s9 =	sld [smem:$0x3FB7]  }
0x2f: {  	lr =	sadd.s32 s0, s3;
	s0 =	sld [smem:$0x3FAE]  }
0x30: {  	s3 =	sld [smem:$0x3FB1]  }
0x31: {  	[smem:$0x3FBA] =	sst s10  }
0x32: {  	s10 =	sld [smem:$0x3FB8];
	_ =	sdelay $0x3  }
0x33: {  	p0 =	seq.s32 s10, $0x1;
	s10 =	sld [smem:$0x3FBA];
	_ =	sdelay $0x3  }
0x34: {  	[smem:$0x3FBA] =	sst s10  }
0x35: {  	s10 =	sld [smem:$0x3FB9];
	_ =	sdelay $0x3  }
0x36: {  	p1 =	seq.s32 s10, $0x1;
	s10 =	sld [smem:$0x3FBA];
	_ =	sdelay $0x3  }
0x37: {  	[smem:$0x3FBA] =	sst s10  }
0x38: {  	s10 =	sld [smem:$0x3FBB]  }
0x39: {  	_ = 	snop;
	(pc) =	sbr.ind lr, $3  }
0x3a: {  	_ = 	snop  }
0x3b: {  	_ = 	snop  }
0x3c: {  	p2 =	seq.s32 s10, $0x1;
	s10 =	sld [smem:$0x3FBA]  }
0x3d: {  	_ =	shalt  }
0x3e: {  	_ =	shalt  }
0x3f: {  	_ =	shalt  }
0x40: {  	_ =	shalt  }
0x41: {  	_ =	shalt  }
0x42: {  	_ =	shalt  }
0x43: {  	_ =	shalt  }
0x44: {  	_ =	shalt  }
0x45: {  	_ =	shalt  }
0x46: {  	_ =	shalt  }
0x47: {  	_ =	shalt  }
0x48: {  	_ =	shalt  }
0x49: {  	_ =	shalt  }
0x4a: {  	_ =	shalt  }
0x4b: {  	_ =	shalt  }
0x4c: {  	_ =	shalt  }
0x4d: {  	_ =	shalt  }
0x4e: {  	_ =	shalt  }
0x4f: {  	_ =	shalt  }
0x50: {  	_ =	shalt  }
0x51: {  	_ =	shalt  }
0x52: {  	_ =	shalt  }
0x53: {  	_ =	shalt  }
0x54: {  	_ =	shalt  }
0x55: {  	_ =	shalt  }
0x56: {  	_ =	shalt  }
0x57: {  	_ =	shalt  }
0x58: {  	_ =	shalt  }
0x59: {  	_ =	shalt  }
0x5a: {  	_ =	shalt  }
0x5b: {  	_ =	shalt  }
0x5c: {  	_ =	shalt  }
0x5d: {  	_ =	shalt  }
0x5e: {  	_ =	shalt  }
0x5f: {  	_ =	shalt  }
0x60: {  	_ =	shalt  }
0x61: {  	_ =	shalt  }
0x62: {  	_ =	shalt  }
0x63: {  	_ =	shalt  }
0x64: {  	_ =	shalt  }
0x65: {  	_ =	shalt  }
0x66: {  	_ =	shalt  }
0x67: {  	_ =	shalt  }
0x68: {  	_ =	shalt  }
0x69: {  	_ =	shalt  }
0x6a: {  	_ =	shalt  }
0x6b: {  	_ =	shalt  }
0x6c: {  	_ =	shalt  }
0x6d: {  	_ =	shalt  }
0x6e: {  	_ =	shalt  }
0x6f: {  	_ =	shalt  }
0x70: {  	_ =	shalt  }
0x71: {  	_ =	shalt  }
0x72: {  	_ =	shalt  }
0x73: {  	_ =	shalt  }
0x74: {  	_ =	shalt  }
0x75: {  	_ =	shalt  }
0x76: {  	_ =	shalt  }
0x77: {  	_ =	shalt  }
0x78: {  	_ =	shalt  }
0x79: {  	_ =	shalt  }
0x7a: {  	_ =	shalt  }
0x7b: {  	_ =	shalt  }
0x7c: {  	_ =	shalt  }
0x7d: {  	_ =	shalt  }
0x7e: {  	_ =	shalt  }
0x7f: {  	_ =	shalt  }
0x80: {  	_ =	shalt  }
0x81: {  	_ =	shalt  }
0x82: {  	_ =	shalt  }
0x83: {  	_ =	shalt  }
0x84: {  	_ =	shalt  }
0x85: {  	_ =	shalt  }
0x86: {  	_ =	shalt  }
0x87: {  	_ =	shalt  }
.Lfunc_end0:
.L_simem_size_0:
called_computation_lowered:
.L_overlay_start_0:
0x88: {  	s2 =	sld [smem:$0x3FD9]  }
0x89: {  	s3 =	sld [smem:$0x3FFE];
	_ =	sdelay $0x1  }
0x8a: {  	s1 =	srdreg.scid  }
0x8b: {  	s0 =	sand.u32 $0x1, s1  }
0x8c: {  	s17 =	sshll.u32 s0, $0xA;
	s2 =	sadd.s32 s3, s2  }
0x8d: {  	s2 =	sadd.s32 s2, s17  }
0x8e: {  	[smem:$0x3FC6] =	sst s2  }
0x8f: {  	_ = 	snop  }
0x90: {  	s2 =	sld [smem:$0x3FD0];
	(tm) =	ssettm $0x1  }
0x91: {  	s18 =	sld [smem:$0x3FFB];
	_ =	sdelay $0x3  }
0x92: {  	_ =	strace s18  }
0x93: {  	s3 =	sld [smem:$0x3FFC];
	_ =	sdelay $0x3  }
0x94: {  	_ =	strace s3  }
0x95: {  	s3 =	sld [smem:$0x3FFD];
	_ =	sdelay $0x3  }
0x96: {  	_ =	strace s3  }
0x97: {  	_ =	strace $0x8FFFFFFF  }
0x98: {  	s19 =	sld [smem:$0x3FDB];
	_ =	sdelay $0x1  }
0x99: {  	s4 =	simm.s32 $_scs_section_size  }
0x9a: {  	s5 =	simm.s32 $_size__tile_overlayer_lowered;
	s6 =	simm.s32 $_tile_overlayer_lowered  }
0x9b: {  	s22 =	simm.s32 $0x1BFF;
	s21 =	sshll.u32 s6, $0x1;
	s3 =	sadd.s32 s4, s19  }
0x9c: {  	s7 =	simm.s32 $0x0;
	s20 =	sshll.u32 s5, $0x1;
	s5 =	sadd.s32 s21, s3  }
0x9d: {  	[timem:s7], [sflag:s22] =	dma.local [hbm:s5], s20  }
0x9e: {  	_ =	swait.ge [sflag:s22], s20  }
0x9f: {  	s4 =	ssub.s32 $0x0, s20;
	[sflag:s22] =	ssyncset.done $0x0  }
0xa0: {  	[sflag:s22] =	ssyncadd.s32 s4;
	_ =	sdelay $0x1  }
0xa1: {  	s23 =	simm.s32 $0x1B8B  }
0xa2: {  	_ =	swait.ge [sflag:s23], $0x1  }
0xa3: {  	[sflag:s23] =	ssyncset.done $0x0  }
0xa4: {  	s25 =	simm.s32 $0x1B8E;
	s24 =	sld [smem:$0x3FFE];
	[sflag:s23] =	ssyncadd.s32 $0xFFFFFFFF  }
0xa5: {  	s26 =	simm.s32 $execute0_lowered;
	[smem:$0x3FD2] =	sst s25  }
0xa6: {  	s5 =	sshll.u32 s26, $0x1;
	_ =	strace $0x80000046;
	[dreg:$0x1] =	wrdreg $0xFFFFFFFF  }
0xa7: {  	s28 =	simm.s32 $_size_execute0_lowered;
	s3 =	sadd.s32 s3, s5;
	[dreg:$0x0] =	wrdreg $0x0  }
0xa8: {  	s5 =	sshll.u32 s28, $0x1;
	[dreg:$0x2] =	wrdreg s3  }
0xa9: {  	[dreg:$0x3] =	wrdreg s5  }
0xaa: {  	[dreg:$0x4] =	wrdreg $0xC0  }
0xab: {  	_ =	task [dreg:s7], $0x5FFFF  }
0xac: {  	[dreg:$0x1] =	wrdreg $0xFFFFFFFF  }
0xad: {  	[dreg:$0x0] =	wrdreg $0x60  }
0xae: {  	[dreg:$0x2] =	wrdreg s24  }
0xaf: {  	[dreg:$0x3] =	wrdreg s2  }
0xb0: {  	[dreg:$0x4] =	wrdreg $0x9  }
0xb1: {  	_ =	task.clear_ibuf [dreg:s7], $0x5FFFF;
	_ =	strace $0x90000046  }
0xb2: {  	s29 =	simm.s32 $0x9;
	_ =	strace $0x80000048  }
0xb3: {  	_ =	swait.ge [sflag:s29], $0x1  }
0xb4: {  	[sflag:s29] =	ssyncadd.s32 $0xFFFFFFFF  }
0xb5: {  	_ =	strace $0x90000048  }
0xb6: {  	_ =	sfence  }
0xb7: {  	s30 =	sld [smem:$0x0];
	_ =	sdelay $0x2  }
0xb8: {  	s31 =	sshll.u32 s1, $0xD;
	s1 =	sshrl.u32 s1, $0x2  }
0xb9: {  	s3 =	sand.u32 $0x4000, s31;
	s1 =	sadd.s32 s1, s30  }
0xba: {  	s0 =	sor.u32 s3, s0;
	s1 =	sshll.u32 s1, $0x11  }
0xbb: {  	s0 =	sor.u32 s1, s0  }
0xbc: {  	s0 =	sadd.s32 $0x8F2B, s0  }
0xbd: {  	[sflag:s0] =	ssyncadd.remote.s32 $0x1  }
0xbe: {  	_ =	sfence.sel $0xFFFF  }
0xbf: {  	[dreg:$0x0] =	wrdreg $0xFFFFFFFF;
	(pc) =	sbr.abs _section_cstart, $3  }
0xc0: {  	[dreg:$0x1] =	wrdreg $0xFFFFFFFF  }
0xc1: {  	_ =	task.clear_ibuf [dreg:s7], $0x2FFFF;
	_ =	strace $0x9FFFFFFF  }
0xc2: {  	(tm) =	ssettm $0x7FFFFFFF  }
0xc3: {  	_ =	shalt  }
tec
execute0_lowered:
.L_overlay_start_1:
0x0: {  	(tag) =	ssettag $0x1  }
0x1: {  	s0 =	srdreg.scid  }
0x2: {  	s2 =	stileid.u32;
	s1 =	rddreg [dreg:$0x0]  }
0x3: {  	s5 =	rddreg [dreg:$0x1];
	s8 =	simm.s32 $0x50;
	s9 =	simm.s32 $0x19000  }
0x4: {  	s10 =	simm.s32 $0x410;
	s11 =	simm.s32 $0x1B080;
	s12 =	simm.s32 $0x460  }
0x5: {  	s13 =	simm.s32 $0x1B300;
	s14 =	simm.s32 $0x4B0;
	s15 =	simm.s32 $0x1B580  }
0x6: {  	s16 =	simm.s32 $0x500;
	s17 =	simm.s32 $0x1B800;
	s18 =	simm.s32 $0x550  }
0x7: {  	s19 =	simm.s32 $0x1BA80;
	s20 =	simm.s32 $0x5A0;
	s21 =	simm.s32 $0x1BD00  }
0x8: {  	s22 =	simm.s32 $0x5F0;
	s0 =	sand.u32 $0x1, s0;
	s2 =	sshll.u32 s2, $0x1  }
0x9: {  	s23 =	simm.s32 $0x1BF80;
	s24 =	simm.s32 $0x1C200;
	s4 =	sor.u32 s0, s2  }
0xa: {  	s25 =	simm.s32 $0x0;
	s2 =	simm.s32 $0x0;
	s3 =	smul.u32 $0x3200, s4  }
.Ltmp0:
0xb: {  	v2 =	vlaneseq.u32;
	s0 =	ssub.s32 $0x2, s0;
	[smem:$0x7FF] =	sst s2;
	(pc) =	sbr.rel .LBB2_1-.Ltmp0, $4  }
0xc: {  	v0 =	vshrl.u32 v2, $0x3;
	v2 =	vand.u32 $0x7, v2;
	s7 =	sshrl.u32 s0, $0x1;
	s31 =	sshll.u32 s4, $0x9;
	_ =	strace $0x80000047  }
0xd: {  	v0 =	vmul.u32 $0xC8, v0;
	v5 =	vor.u32 $0x20, v2;
	s0 =	ssub.s32 s0, s7;
	s5 =	sadd.s32 s5, s31;
	s7 =	simm.s32 $0x5  }
0xe: {  	v6 =	vor.u32 $0x40, v2;
	v7 =	vor.u32 $0x60, v2;
	v8 =	vor.u32 $0x80, v2;
	s6 =	sadd.s32 s3, s1;
	s3 =	sadd.s32 $0xF4800, s1;
	s1 =	simm.s32 $0x3C0  }
0xf: {  	v1 =	vor.u32 $0x1, v0;
	v3 =	vor.u32 $0x2, v0;
	v4 =	vor.u32 $0x3, v0;
	s4 =	sadd.s32 $0x400, s6;
	s6 =	smax.u32 s0, $0x1;
	s0 =	simm.s32 $0x1AE00  }
.LBB2_12:
0x10: {  	s25 =	sadd.s32 $0x1, s25  }
0x11: {  	p0 =	sne.s32 s25, s6  }
.Ltmp1:
0x12: {  	_ = 	snop;
	(pc) =	sbr.rel @!p0 .LBB2_13-.Ltmp1, $4  }
0x13: {  	[hbm4b:s5+s2] =	stream.linear.scatter [tilespmem:s24], [sflag:$0x5], $0x1000, $0x38;
	[tilespmem:$0x1D200] =	vst v63  }
0x14: {  	_ =	swait.ge [sflag:s7], $0x1000  }
0x15: {  	[sflag:s7] =	ssyncset.done $0x0  }
0x16: {  	[sflag:s7] =	ssyncadd.s32 $0xFFFFF000  }
.LBB2_1:
0x17: {  	[tilespmem:s2], [sflag:$0x5] =	stream.linear.gather [hbm4b:s4+s2], $0x19000, $0x38;
	[tilespmem:$0x1D200] =	vst v63  }
0x18: {  	_ =	swait.ge [sflag:s7], $0x19000  }
0x19: {  	[sflag:s7] =	ssyncset.done $0x0  }
0x1a: {  	[sflag:s7] =	ssyncadd.s32 $0xFFFE7000  }
0x1b: {  	[tilespmem:s9], [sflag:$0x1] =	stream.indirect.gather [hbm4b:s3+s8], $0x8, s2, s8, $0xb8;
	[tilespmem:$0x1D200] =	vst v63  }
0x1c: {  	s26 =	simm.s32 $0x19280  }
0x1d: {  	[tilespmem:s26], [sflag:$0x1] =	stream.indirect.gather [hbm4b:s3+s8], $0x8, s8, s8, $0xb8;
	[tilespmem:$0x1D200] =	vst v63  }
0x1e: {  	s31 =	simm.s32 $0xA0;
	s28 =	simm.s32 $0x19500  }
0x1f: {  	[tilespmem:s28], [sflag:$0x1] =	stream.indirect.gather [hbm4b:s3+s8], $0x8, s31, s8, $0xb8;
	[tilespmem:$0x1D200] =	vst v63  }
0x20: {  	s29 =	simm.s32 $0xF0;
	s30 =	simm.s32 $0x19780  }
0x21: {  	[tilespmem:s30], [sflag:$0x1] =	stream.indirect.gather [hbm4b:s3+s8], $0x8, s29, s8, $0xb8;
	[tilespmem:$0x1D200] =	vst v63  }
0x22: {  	s31 =	simm.s32 $0x140;
	s29 =	simm.s32 $0x19A00  }
0x23: {  	[tilespmem:s29], [sflag:$0x1] =	stream.indirect.gather [hbm4b:s3+s8], $0x8, s31, s8, $0xb8;
	[tilespmem:$0x1D200] =	vst v63  }
0x24: {  	s30 =	simm.s32 $0x190;
	s31 =	simm.s32 $0x19C80  }
0x25: {  	[tilespmem:s31], [sflag:$0x2] =	stream.indirect.gather [hbm4b:s3+s8], $0x8, s30, s8, $0xb8;
	[tilespmem:$0x1D200] =	vst v63  }
0x26: {  	s29 =	simm.s32 $0x1E0;
	s30 =	simm.s32 $0x19F00  }
0x27: {  	[tilespmem:s30], [sflag:$0x2] =	stream.indirect.gather [hbm4b:s3+s8], $0x8, s29, s8, $0xb8;
	[tilespmem:$0x1D200] =	vst v63  }
0x28: {  	s31 =	simm.s32 $0x230;
	s29 =	simm.s32 $0x1A180  }
0x29: {  	[tilespmem:s29], [sflag:$0x2] =	stream.indirect.gather [hbm4b:s3+s8], $0x8, s31, s8, $0xb8;
	[tilespmem:$0x1D200] =	vst v63  }
0x2a: {  	s30 =	simm.s32 $0x280;
	s31 =	simm.s32 $0x1A400  }
0x2b: {  	[tilespmem:s31], [sflag:$0x2] =	stream.indirect.gather [hbm4b:s3+s8], $0x8, s30, s8, $0xb8;
	[tilespmem:$0x1D200] =	vst v63  }
0x2c: {  	s29 =	simm.s32 $0x2D0;
	s30 =	simm.s32 $0x1A680  }
0x2d: {  	[tilespmem:s30], [sflag:$0x2] =	stream.indirect.gather [hbm4b:s3+s8], $0x8, s29, s8, $0xb8;
	[tilespmem:$0x1D200] =	vst v63  }
0x2e: {  	s31 =	simm.s32 $0x320;
	s29 =	simm.s32 $0x1A900  }
0x2f: {  	[tilespmem:s29], [sflag:$0x3] =	stream.indirect.gather [hbm4b:s3+s8], $0x8, s31, s8, $0xb8;
	[tilespmem:$0x1D200] =	vst v63  }
0x30: {  	s30 =	simm.s32 $0x370;
	s31 =	simm.s32 $0x1AB80  }
0x31: {  	[tilespmem:s31], [sflag:$0x3] =	stream.indirect.gather [hbm4b:s3+s8], $0x8, s30, s8, $0xb8;
	[tilespmem:$0x1D200] =	vst v63  }
0x32: {  	_ = 	snop  }
0x33: {  	[tilespmem:s0], [sflag:$0x3] =	stream.indirect.gather [hbm4b:s3+s8], $0x8, s1, s8, $0xb8;
	[tilespmem:$0x1D200] =	vst v63  }
0x34: {  	_ = 	snop  }
0x35: {  	[tilespmem:s11], [sflag:$0x3] =	stream.indirect.gather [hbm4b:s3+s8], $0x8, s10, s8, $0xb8;
	[tilespmem:$0x1D200] =	vst v63  }
0x36: {  	_ = 	snop  }
0x37: {  	[tilespmem:s13], [sflag:$0x3] =	stream.indirect.gather [hbm4b:s3+s8], $0x8, s12, s8, $0xb8;
	[tilespmem:$0x1D200] =	vst v63  }
0x38: {  	_ = 	snop  }
0x39: {  	[tilespmem:s15], [sflag:$0x4] =	stream.indirect.gather [hbm4b:s3+s8], $0x8, s14, s8, $0xb8;
	[tilespmem:$0x1D200] =	vst v63  }
0x3a: {  	_ = 	snop  }
0x3b: {  	[tilespmem:s17], [sflag:$0x4] =	stream.indirect.gather [hbm4b:s3+s8], $0x8, s16, s8, $0xb8;
	[tilespmem:$0x1D200] =	vst v63  }
0x3c: {  	_ = 	snop  }
0x3d: {  	[tilespmem:s19], [sflag:$0x4] =	stream.indirect.gather [hbm4b:s3+s8], $0x8, s18, s8, $0xb8;
	[tilespmem:$0x1D200] =	vst v63  }
.Ltmp2:
0x3e: {  	_ = 	snop;
	(pc) =	sbr.rel .LBB2_2-.Ltmp2, $4  }
0x3f: {  	_ = 	snop  }
0x40: {  	[tilespmem:s21], [sflag:$0x4] =	stream.indirect.gather [hbm4b:s3+s8], $0x8, s20, s8, $0xb8;
	[tilespmem:$0x1D200] =	vst v63  }
0x41: {  	s26 =	simm.s32 $0x0  }
0x42: {  	[tilespmem:s23], [sflag:$0x4] =	stream.indirect.gather [hbm4b:s3+s8], $0x8, s22, s8, $0xb8;
	[tilespmem:$0x1D200] =	vst v63  }
.LBB2_11:
0x43: {  	v10 =	vadd.f32 v11, v10;
	v9 =	vadd.f32 v9, v12;
	s28 =	sshll.u32 s26, $0x4;
	s26 =	sadd.s32 $0x1, s26  }
0x44: {  	p0 =	sne.s32 s26, $0x100  }
.Ltmp3:
0x45: {  	v9 =	vadd.f32 v9, v10;
	(pc) =	sbr.rel @!p0 .LBB2_12-.Ltmp3, $4  }
0x46: {  	_ = 	snop  }
0x47: {  	v9 =	vmul.f32 $4.999999890e-03, v9  }
0x48: {  	s28 =	sand.u32 $0x3FFFFFF0, s28  }
0x49: {  	[tilespmem:s28+$0x1C200] =	vst v9  }
.LBB2_2:
0x4a: {  	s28 =	sand.u32 $0x3, s26  }
0x4b: {  	p0 =	sgt.s32 s28, $0x1  }
.Ltmp4:
0x4c: {  	_ = 	snop;
	(pc) =	sbr.rel @p0 .LBB2_4-.Ltmp4, $1  }
0x4d: {  	_ =	sdelay $0x3  }
.Ltmp5:
0x4e: {  	(pc) =	sbr.rel .LBB2_7-.Ltmp5, $4  }
0x4f: {  	p3 =	seq.s32 s28, $0x0;
	p0 =	por $0x0, $0x0  }
0x50: {  	p2 =	por $0x0, $0x0;
	p1 =	por $0x0, $0x0;
	s29 =	simm.s32 @!p3 $0x2  }
0x51: {  	p4 =	por @!p3 $0x1, $0x1;
	p5 =	por @!p3 $0x0, $0x0;
	s29 =	simm.s32 @p3 $0x1  }
0x52: {  	p0 =	por @!p3 p5, p5;
	p2 =	por @!p3 p4, p4;
	p1 =	por @!p3 p5, p5  }
.LBB2_4:
0x53: {  	p0 =	seq.s32 s28, $0x3  }
.Ltmp6:
0x54: {  	_ = 	snop;
	(pc) =	sbr.rel @!p0 .LBB2_5-.Ltmp6, $1  }
0x55: {  	_ =	sdelay $0x3  }
.Ltmp7:
0x56: {  	(pc) =	sbr.rel .LBB2_7-.Ltmp7, $3  }
0x57: {  	_ =	sdelay $0x1  }
0x58: {  	p2 =	por $0x0, $0x0  }
0x59: {  	p0 =	por $0x1, $0x1;
	s29 =	simm.s32 $0x4;
	p1 =	por $0x0, $0x0  }
.LBB2_5:
0x5a: {  	p1 =	por $0x1, $0x1  }
0x5b: {  	p0 =	por $0x0, $0x0;
	s29 =	simm.s32 $0x3;
	p2 =	por $0x0, $0x0  }
.LBB2_7:
0x5c: {  	s30 =	smul.u32 $0x190, s28;
	_ =	sdelay $0x1  }
0x5d: {  	v19 =	vadd.s32 s30, v4  }
0x5e: {  	v9 =	vshll.u32 v19, $0x3  }
0x5f: {  	v10 =	vadd.s32 v8, v9  }
0x60: {  	v13 =	vadd.s32 v7, v9  }
0x61: {  	_ =	swait.ge [sflag:s29], $0xC80;
	v14 =	vadd.s32 v6, v9  }
0x62: {  	[sflag:s29] =	ssyncset.done $0x0;
	v12 =	vadd.s32 s30, v3;
	v17 =	vadd.s32 v5, v9  }
0x63: {  	[sflag:s29] =	ssyncadd.s32 $0xFFFFF380;
	v11 =	vshll.u32 v12, $0x3;
	v18 =	vor.u32 v2, v9  }
0x64: {  	v21 =	vadd.s32 v7, v11;
	v9 =	vld.idx.msk [tilespmem:v10+s9+$0x0], $0xffff  }
0x65: {  	v23 =	vadd.s32 v6, v11;
	v13 =	vld.idx.msk [tilespmem:v13+s9+$0x0], $0xffff  }
0x66: {  	v15 =	vadd.s32 s30, v1;
	v25 =	vadd.s32 v5, v11;
	v10 =	vld.idx.msk [tilespmem:v14+s9+$0x0], $0xffff  }
0x67: {  	v16 =	vadd.s32 s30, v0;
	v22 =	vshll.u32 v15, $0x3;
	v26 =	vor.u32 v2, v11;
	v17 =	vld.idx.msk [tilespmem:v17+s9+$0x0], $0xffff  }
0x68: {  	v24 =	vshll.u32 v16, $0x3;
	v28 =	vor.u32 v2, v22;
	v20 =	vld.idx.msk [tilespmem:v18+s9+$0x0], $0xffff  }
0x69: {  	v29 =	vor.u32 v2, v24;
	v14 =	vld.idx.msk [tilespmem:v21+s9+$0x0], $0xffff  }
0x6a: {  	v37 =	vadd.s32 v5, v22;
	v18 =	vld.idx.msk [tilespmem:v23+s9+$0x0], $0xffff  }
0x6b: {  	v36 =	vadd.s32 v5, v24;
	v21 =	vld.idx.msk [tilespmem:v25+s9+$0x0], $0xffff  }
0x6c: {  	v35 =	vadd.s32 v6, v22;
	v27 =	vld.idx.msk [tilespmem:v26+s9+$0x0], $0xffff  }
0x6d: {  	v19 =	vadd.s32 $0x14, v19;
	v34 =	vadd.s32 v6, v24;
	v30 =	vld.idx.msk [tilespmem:v28+s9+$0x0], $0xffff  }
0x6e: {  	v33 =	vadd.s32 v7, v22;
	v32 =	vadd.s32 v7, v24;
	v23 =	vimm.f32 $0.0e+00;
	v31 =	vld.idx.msk [tilespmem:v29+s9+$0x0], $0xffff  }
0x6f: {  	s29 =	simm.s32 $0x0;
	v29 =	vld.idx.msk [tilespmem:v37+s9+$0x0], $0xffff;
	v25 =	vimm.f32 $0.0e+00;
	v26 =	vimm.f32 $0.0e+00;
	v28 =	vimm.f32 $0.0e+00  }
.LBB2_8:
0x70: {  	v37 =	vshll.u32 v19, $0x3;
	v36 =	vld.idx.msk [tilespmem:v36+s9+$0x0], $0xffff;
	v22 =	vadd.s32 v8, v22  }
0x71: {  	v24 =	vadd.s32 v8, v24;
	v38 =	vadd.s32 v7, v37;
	v39 =	vadd.s32 v8, v37;
	v35 =	vld.idx.msk [tilespmem:v35+s9+$0x0], $0xffff  }
0x72: {  	v41 =	vadd.s32 v8, v11;
	v12 =	vadd.s32 $0x14, v12;
	v40 =	vadd.s32 v6, v37;
	v34 =	vld.idx.msk [tilespmem:v34+s9+$0x0], $0xffff  }
0x73: {  	v11 =	vshll.u32 v12, $0x3;
	v42 =	vor.u32 v2, v37;
	v37 =	vadd.s32 v5, v37;
	v33 =	vld.idx.msk [tilespmem:v33+s9+$0x0], $0xffff  }
0x74: {  	v43 =	vadd.s32 v7, v11;
	v25 =	vadd.f32 v30, v25;
	v23 =	vadd.f32 v31, v23;
	v30 =	vld.idx.msk [tilespmem:v32+s9+$0x0], $0xffff  }
0x75: {  	v20 =	vadd.f32 v20, v28;
	v26 =	vadd.f32 v27, v26;
	v31 =	vadd.s32 v6, v11;
	v27 =	vld.idx.msk [tilespmem:v22+s9+$0x0], $0xffff  }
0x76: {  	v32 =	vadd.s32 v5, v11;
	v22 =	vadd.f32 v36, v23;
	v23 =	vadd.f32 v29, v25;
	v25 =	vld.idx.msk [tilespmem:v24+s9+$0x0], $0xffff  }
0x77: {  	v17 =	vadd.f32 v17, v20;
	v21 =	vadd.f32 v21, v26;
	v29 =	vor.u32 v2, v11;
	v26 =	vld.idx.msk [tilespmem:v41+s9+$0x0], $0xffff  }
0x78: {  	v15 =	vadd.s32 $0x14, v15;
	v20 =	vadd.f32 v34, v22;
	v23 =	vadd.f32 v35, v23;
	v36 =	vld.idx.msk [tilespmem:v39+s9+$0x0], $0xffff  }
0x79: {  	v18 =	vadd.f32 v18, v21;
	v21 =	vadd.f32 v10, v17;
	v22 =	vshll.u32 v15, $0x3;
	v34 =	vld.idx.msk [tilespmem:v38+s9+$0x0], $0xffff  }
0x7a: {  	v38 =	vor.u32 v2, v22;
	v28 =	vadd.f32 v30, v20;
	v30 =	vadd.f32 v33, v23;
	v10 =	vld.idx.msk [tilespmem:v40+s9+$0x0], $0xffff  }
0x7b: {  	v16 =	vadd.s32 $0x14, v16;
	v18 =	vadd.f32 v14, v18;
	v13 =	vadd.f32 v13, v21;
	v17 =	vld.idx.msk [tilespmem:v37+s9+$0x0], $0xffff  }
0x7c: {  	v24 =	vshll.u32 v16, $0x3;
	v23 =	vadd.f32 v25, v28;
	v25 =	vadd.f32 v27, v30;
	v20 =	vld.idx.msk [tilespmem:v42+s9+$0x0], $0xffff  }
0x7d: {  	s29 =	sadd.s32 $0x5, s29;
	v33 =	vor.u32 v2, v24;
	v28 =	vadd.f32 v9, v13;
	v26 =	vadd.f32 v26, v18;
	v14 =	vld.idx.msk [tilespmem:v43+s9+$0x0], $0xffff  }
0x7e: {  	p3 =	slt.u32 s29, $0x2D;
	v37 =	vadd.s32 v5, v22;
	v9 =	vmov v36;
	v18 =	vld.idx.msk [tilespmem:v31+s9+$0x0], $0xffff  }
.Ltmp8:
0x7f: {  	v36 =	vadd.s32 v5, v24;
	v13 =	vmov v34;
	v21 =	vld.idx.msk [tilespmem:v32+s9+$0x0], $0xffff;
	(pc) =	sbr.rel @p3 .LBB2_8-.Ltmp8, $4  }
0x80: {  	v35 =	vadd.s32 v6, v22;
	v27 =	vld.idx.msk [tilespmem:v29+s9+$0x0], $0xffff  }
0x81: {  	v34 =	vadd.s32 v6, v24;
	v30 =	vld.idx.msk [tilespmem:v38+s9+$0x0], $0xffff  }
0x82: {  	v31 =	vld.idx.msk [tilespmem:v33+s9+$0x0], $0xffff;
	v33 =	vadd.s32 v7, v22  }
0x83: {  	v19 =	vadd.s32 $0x14, v19;
	v32 =	vadd.s32 v7, v24;
	v29 =	vld.idx.msk [tilespmem:v37+s9+$0x0], $0xffff  }
0x84: {  	_ =	sdelay $0x3  }
0x85: {  	v12 =	vld.idx.msk [tilespmem:v36+s9+$0x0], $0xffff;
	v15 =	vadd.s32 v8, v22  }
0x86: {  	v16 =	vld.idx.msk [tilespmem:v35+s9+$0x0], $0xffff;
	v19 =	vadd.s32 v8, v24  }
0x87: {  	v58 =	vld.idx.msk [tilespmem:v34+s9+$0x0], $0xffff;
	v11 =	vadd.s32 v8, v11  }
0x88: {  	v59 =	vld.idx.msk [tilespmem:v33+s9+$0x0], $0xffff;
	v20 =	vadd.f32 v20, v28;
	v23 =	vadd.f32 v31, v23  }
0x89: {  	v60 =	vld.idx.msk [tilespmem:v32+s9+$0x0], $0xffff;
	v26 =	vadd.f32 v27, v26;
	v25 =	vadd.f32 v30, v25  }
0x8a: {  	v17 =	vadd.f32 v17, v20;
	v15 =	vld.idx.msk [tilespmem:v15+s9+$0x0], $0xffff;
	v12 =	vadd.f32 v12, v23  }
0x8b: {  	v21 =	vadd.f32 v21, v26;
	v61 =	vadd.f32 v29, v25;
	v19 =	vld.idx.msk [tilespmem:v19+s9+$0x0], $0xffff  }
0x8c: {  	v10 =	vadd.f32 v10, v17;
	v62 =	vld.idx.msk [tilespmem:v11+s9+$0x0], $0xffff;
	v11 =	vadd.f32 v58, v12  }
0x8d: {  	p3 =	sgt.u32 s26, $0xFB;
	v63 =	vadd.f32 v18, v21;
	v12 =	vadd.f32 v16, v61  }
.Ltmp9:
0x8e: {  	v13 =	vadd.f32 v13, v10;
	v11 =	vadd.f32 v60, v11;
	(pc) =	sbr.rel @p3 .LBB2_11-.Ltmp9, $3  }
0x8f: {  	v14 =	vadd.f32 v14, v63;
	v12 =	vadd.f32 v59, v12  }
0x90: {  	v9 =	vadd.f32 v9, v13;
	v10 =	vadd.f32 v19, v11  }
0x91: {  	v11 =	vadd.f32 v15, v12;
	v12 =	vadd.f32 v62, v14;
	_ =	sdelay $0x1  }
0x92: {  	p3 =	sne.s32 s28, $0x0  }
0x93: {  	s28 =	smul.u32 @!p3 $0x640, s26;
	_ =	sdelay $0x1  }
0x94: {  	s28 =	sshra.s32 @!p3 s28, $0x2  }
0x95: {  	s30 =	simm.s32 @!p3 $0x50;
	s31 =	simm.s32 @!p3 $0x19000;
	s29 =	sadd.s32 @!p3 $0x640, s28  }
0x96: {  	[tilespmem:s31], [sflag:$0x1] =	stream.indirect.gather @!p3 [hbm4b:s3+s30], $0x8, s29, s30, $0xb8;
	[tilespmem:$0x1D200] =	vst v63  }
0x97: {  	s29 =	sadd.s32 @!p3 $0x690, s28;
	s31 =	simm.s32 @!p3 $0x19280  }
0x98: {  	[tilespmem:s31], [sflag:$0x1] =	stream.indirect.gather @!p3 [hbm4b:s3+s30], $0x8, s29, s30, $0xb8;
	[tilespmem:$0x1D200] =	vst v63  }
0x99: {  	s29 =	sadd.s32 @!p3 $0x6E0, s28;
	s31 =	simm.s32 @!p3 $0x19500  }
0x9a: {  	[tilespmem:s31], [sflag:$0x1] =	stream.indirect.gather @!p3 [hbm4b:s3+s30], $0x8, s29, s30, $0xb8;
	[tilespmem:$0x1D200] =	vst v63  }
0x9b: {  	s29 =	sadd.s32 @!p3 $0x730, s28;
	s31 =	simm.s32 @!p3 $0x19780  }
0x9c: {  	[tilespmem:s31], [sflag:$0x1] =	stream.indirect.gather @!p3 [hbm4b:s3+s30], $0x8, s29, s30, $0xb8;
	[tilespmem:$0x1D200] =	vst v63  }
0x9d: {  	s28 =	sadd.s32 @!p3 $0x780, s28;
	s29 =	simm.s32 @!p3 $0x19A00;
	s31 =	smul.u32 @p2 $0x640, s26  }
0x9e: {  	[tilespmem:s29], [sflag:$0x1] =	stream.indirect.gather @!p3 [hbm4b:s3+s30], $0x8, s28, s30, $0xb8;
	[tilespmem:$0x1D200] =	vst v63  }
0x9f: {  	s28 =	sshra.s32 @p2 s31, $0x2  }
0xa0: {  	s30 =	simm.s32 @p2 $0x50;
	s31 =	simm.s32 @p2 $0x19C80;
	s29 =	sadd.s32 @p2 $0x640, s28  }
0xa1: {  	[tilespmem:s31], [sflag:$0x2] =	stream.indirect.gather @p2 [hbm4b:s3+s30], $0x8, s29, s30, $0xb8;
	[tilespmem:$0x1D200] =	vst v63  }
0xa2: {  	s29 =	sadd.s32 @p2 $0x690, s28;
	s31 =	simm.s32 @p2 $0x19F00  }
0xa3: {  	[tilespmem:s31], [sflag:$0x2] =	stream.indirect.gather @p2 [hbm4b:s3+s30], $0x8, s29, s30, $0xb8;
	[tilespmem:$0x1D200] =	vst v63  }
0xa4: {  	s29 =	sadd.s32 @p2 $0x6E0, s28;
	s31 =	simm.s32 @p2 $0x1A180  }
0xa5: {  	[tilespmem:s31], [sflag:$0x2] =	stream.indirect.gather @p2 [hbm4b:s3+s30], $0x8, s29, s30, $0xb8;
	[tilespmem:$0x1D200] =	vst v63  }
0xa6: {  	s29 =	sadd.s32 @p2 $0x730, s28;
	s31 =	simm.s32 @p2 $0x1A400  }
0xa7: {  	[tilespmem:s31], [sflag:$0x2] =	stream.indirect.gather @p2 [hbm4b:s3+s30], $0x8, s29, s30, $0xb8;
	[tilespmem:$0x1D200] =	vst v63  }
0xa8: {  	s28 =	sadd.s32 @p2 $0x780, s28;
	s29 =	simm.s32 @p2 $0x1A680;
	s31 =	smul.u32 @p1 $0x640, s26  }
0xa9: {  	[tilespmem:s29], [sflag:$0x2] =	stream.indirect.gather @p2 [hbm4b:s3+s30], $0x8, s28, s30, $0xb8;
	[tilespmem:$0x1D200] =	vst v63  }
0xaa: {  	s28 =	sshra.s32 @p1 s31, $0x2  }
0xab: {  	s30 =	simm.s32 @p1 $0x50;
	s31 =	simm.s32 @p1 $0x1A900;
	s29 =	sadd.s32 @p1 $0x640, s28  }
0xac: {  	[tilespmem:s31], [sflag:$0x3] =	stream.indirect.gather @p1 [hbm4b:s3+s30], $0x8, s29, s30, $0xb8;
	[tilespmem:$0x1D200] =	vst v63  }
0xad: {  	s29 =	sadd.s32 @p1 $0x690, s28;
	s31 =	simm.s32 @p1 $0x1AB80  }
0xae: {  	[tilespmem:s31], [sflag:$0x3] =	stream.indirect.gather @p1 [hbm4b:s3+s30], $0x8, s29, s30, $0xb8;
	[tilespmem:$0x1D200] =	vst v63  }
0xaf: {  	s29 =	sadd.s32 @p1 $0x6E0, s28;
	s31 =	simm.s32 @p1 $0x1AE00  }
0xb0: {  	[tilespmem:s31], [sflag:$0x3] =	stream.indirect.gather @p1 [hbm4b:s3+s30], $0x8, s29, s30, $0xb8;
	[tilespmem:$0x1D200] =	vst v63  }
0xb1: {  	s29 =	sadd.s32 @p1 $0x730, s28;
	s31 =	simm.s32 @p1 $0x1B080  }
0xb2: {  	[tilespmem:s31], [sflag:$0x3] =	stream.indirect.gather @p1 [hbm4b:s3+s30], $0x8, s29, s30, $0xb8;
	[tilespmem:$0x1D200] =	vst v63  }
0xb3: {  	s28 =	sadd.s32 @p1 $0x780, s28;
	s29 =	simm.s32 @p1 $0x1B300;
	s31 =	smul.u32 @p0 $0x640, s26  }
0xb4: {  	[tilespmem:s29], [sflag:$0x3] =	stream.indirect.gather @p1 [hbm4b:s3+s30], $0x8, s28, s30, $0xb8;
	[tilespmem:$0x1D200] =	vst v63  }
0xb5: {  	s28 =	sshra.s32 @p0 s31, $0x2  }
0xb6: {  	s30 =	simm.s32 @p0 $0x50;
	s31 =	simm.s32 @p0 $0x1B580;
	s29 =	sadd.s32 @p0 $0x640, s28  }
0xb7: {  	[tilespmem:s31], [sflag:$0x4] =	stream.indirect.gather @p0 [hbm4b:s3+s30], $0x8, s29, s30, $0xb8;
	[tilespmem:$0x1D200] =	vst v63  }
0xb8: {  	s29 =	sadd.s32 @p0 $0x690, s28;
	s31 =	simm.s32 @p0 $0x1B800  }
0xb9: {  	[tilespmem:s31], [sflag:$0x4] =	stream.indirect.gather @p0 [hbm4b:s3+s30], $0x8, s29, s30, $0xb8;
	[tilespmem:$0x1D200] =	vst v63  }
0xba: {  	s29 =	sadd.s32 @p0 $0x6E0, s28;
	s31 =	simm.s32 @p0 $0x1BA80  }
0xbb: {  	[tilespmem:s31], [sflag:$0x4] =	stream.indirect.gather @p0 [hbm4b:s3+s30], $0x8, s29, s30, $0xb8;
	[tilespmem:$0x1D200] =	vst v63  }
.Ltmp10:
0xbc: {  	_ = 	snop;
	(pc) =	sbr.rel .LBB2_11-.Ltmp10, $4  }
0xbd: {  	s29 =	sadd.s32 @p0 $0x730, s28;
	s31 =	simm.s32 @p0 $0x1BD00  }
0xbe: {  	[tilespmem:s31], [sflag:$0x4] =	stream.indirect.gather @p0 [hbm4b:s3+s30], $0x8, s29, s30, $0xb8;
	[tilespmem:$0x1D200] =	vst v63  }
0xbf: {  	s28 =	sadd.s32 @p0 $0x780, s28;
	s29 =	simm.s32 @p0 $0x1BF80  }
0xc0: {  	[tilespmem:s29], [sflag:$0x4] =	stream.indirect.gather @p0 [hbm4b:s3+s30], $0x8, s28, s30, $0xb8;
	[tilespmem:$0x1D200] =	vst v63  }
.LBB2_13:
0xc1: {  	_ =	sfence.sel $0x180000  }
0xc2: {  	[bflag:$0x0] =	sbarrier.arrive $0xFFFF  }
0xc3: {  	_ =	strace $0x90000047  }
0xc4: {  	s0 =	stileid.u32;
	[bflag:$0x2] =	sbarrier.arrive $0xFFFF  }
0xc5: {  	p0 =	sne.s32 s0, $0x0;
	s0 =	rddreg [dreg:$0x2]  }
0xc6: {  	s0 =	sadd.s32 @!p0 $0x100000, s0  }
0xc7: {  	[sflag:s0] =	ssyncadd.tile.s32 @!p0 $0x1;
	_ =	shalt  }
.Lfunc_end2:
_tile_overlayer_lowered:
.L_overlay_start_2:
0xc8: {  	(tag) =	ssettag $0x2  }
0xc9: {  	s0 =	rddreg [dreg:$0x0];
	s2 =	stileid.u32  }
0xca: {  	s1 =	rddreg [dreg:$0x1];
	p0 =	sne.s32 s2, $0x0  }
0xcb: {  	s3 =	rddreg [dreg:$0x2];
	[bflag:$0x3] =	sbarrier.arrive $0xFFFF;
	s2 =	simm.s32 @!p0 $0x1C05  }
0xcc: {  	[timem:s3], [sflag:s2] =	dma.local @!p0 [hbm:s0], s1  }
0xcd: {  	s0 =	simm.s32 @!p0 $0x5  }
0xce: {  	_ =	swait.ge @!p0 [sflag:s0], s1  }
0xcf: {  	s1 =	ssub.s32 @!p0 $0x0, s1;
	[sflag:s0] =	ssyncset.done @!p0 $0x0  }
0xd0: {  	[sflag:s0] =	ssyncadd.s32 @!p0 s1  }
0xd1: {  	[bflag:$0x3] =	sbarrier.arrive $0xFFFF  }
0xd2: {  	_ =	shalt  }

</sc_bundles>
